<compile_context>
chip_gen: v7x
topology: tpu7x:2x2x1
jax: 0.10.2.dev20260603
libtpu: 0.0.44.dev20260713+nightly
codegen_flags: <defaults>
</compile_context>

<pallas_src>
import functools
import math

import jax
import jax.numpy as jnp
from jax import lax
from jax.experimental import pallas as pl
from jax.experimental.pallas import tpu as pltpu
from jax.experimental.pallas import tpu_sc as plsc

NL = 2
NA = 3
NC_CLS = 23
NM = 32
BS = 8
GH = GW = 64
MH = MW = 128
NT_PER = 20
NO = 60
NG = 16
ROWS = NG * NT_PER
EPS = 1e-5
CP, CN = 1.0 - 0.5 * EPS, 0.5 * EPS
BALANCE = (4.0, 4.0)
PTILES = 2
PCHUNK = (MH * MW) // PTILES



_N_WORKERS = 32
_B_TOTAL = NL * BS * ROWS
_B_PER_W = _B_TOTAL // _N_WORKERS


_E_PS = _B_TOTAL * NO
_E_CH4 = NL * BS * NA * GH * GW
_E_TOTAL = _E_PS + _E_CH4
_E_PER_W = _E_TOTAL // _N_WORKERS
_E_ROWS = _E_PER_W // 128
_PS_ROWS_W = _E_PS // _N_WORKERS // 128


def _sc_gather_rows(table_flat, idx3):
    mesh = plsc.VectorSubcoreMesh(core_axis_name="c", subcore_axis_name="s")

    @functools.partial(
        pl.kernel,
        mesh=mesh,
        out_type=jax.ShapeDtypeStruct((_N_WORKERS, _E_ROWS, 128), jnp.float32),
        scratch_types=[
            pltpu.VMEM((_E_ROWS, 128), jnp.int32),
            pltpu.VMEM((_E_ROWS, 128), jnp.float32),
            pltpu.SemaphoreType.DMA,
        ],
        compiler_params=pltpu.CompilerParams(use_tc_tiling_on_sc=False),
    )
    def gather_kernel(table_hbm, idx_hbm, out_hbm, idx_v, rows_v, sem):
        wid = lax.axis_index("s") * 2 + lax.axis_index("c")
        pltpu.sync_copy(idx_hbm.at[wid], idx_v)

        def fire(j, carry):
            pltpu.make_async_copy(
                table_hbm.at[idx_v.at[j]], rows_v.at[j], sem).start()
            return carry

        def drain(j, carry):
            pltpu.make_async_copy(
                table_hbm.at[idx_v.at[j]], rows_v.at[j], sem).wait()
            return carry

        lax.fori_loop(0, _E_ROWS, fire, 0)
        lax.fori_loop(0, _E_ROWS, drain, 0)
        pltpu.sync_copy(rows_v, out_hbm.at[wid])

    return gather_kernel(table_flat, idx3)


def _row_indices(targets):
    gxy = targets[:, 2:4].reshape(BS, NT_PER, 2) * 64.0
    g = jnp.arange(NG)
    gc = jnp.minimum(g, 14)
    offi = gc // 3
    a_i = gc % 3
    offs = jnp.array(
        [[0, 0], [0.5, 0], [0, 0.5], [-0.5, 0], [0, -0.5]], jnp.float32
    )[offi]
    gij = jnp.floor(gxy[:, None] - offs[None, :, None])
    gi = jnp.clip(gij[..., 0], 0, GW - 1).astype(jnp.int32)
    gj = jnp.clip(gij[..., 1], 0, GH - 1).astype(jnp.int32)
    bi = jnp.arange(BS, dtype=jnp.int32)
    base = (bi[:, None, None] * NA + a_i[None, :, None].astype(jnp.int32))
    cell = base * (GH * GW) + gj * GW + gi
    lvl = jnp.arange(NL, dtype=jnp.int32) * (BS * NA * GH * GW)
    rows = (lvl[:, None, None, None] + cell[None]).reshape(_B_TOTAL)
    eidx = (rows[:, None] * NO
            + jnp.arange(NO, dtype=jnp.int32)[None, :]).reshape(
                _N_WORKERS, _PS_ROWS_W * 128)
    ch4 = (jnp.arange(_E_CH4, dtype=jnp.int32) * NO + 4).reshape(
        _N_WORKERS, (_E_ROWS - _PS_ROWS_W) * 128)
    return jnp.concatenate([eidx, ch4], axis=1).reshape(
        _N_WORKERS, _E_ROWS, 128)



_ATAN_C = (
    -0.3333314528, 0.1999355085, -0.1420889944, 0.1065626393,
    -0.0752896400, 0.0429096138, -0.0161657367, 0.0028662257,
)


def _atan_pos(z):
    inv = z > 1.0
    t = jnp.where(inv, 1.0 / z, z)
    t2 = t * t
    p = jnp.zeros_like(t)
    for c in _ATAN_C[::-1]:
        p = (p + c) * t2
    a = t + t * p
    return jnp.where(inv, (math.pi / 2) - a, a)


def _softplus(x):
    return jnp.maximum(x, 0.0) + jnp.log1p(jnp.exp(-jnp.abs(x)))


def _sigmoid(x):
    return 1.0 / (1.0 + jnp.exp(-x))


def _fiota(shape, dim):
    return lax.broadcasted_iota(jnp.int32, shape, dim).astype(jnp.float32)


_CNT = 0
_LBOX = 2
_LCLS = 4
_SP = 6
_XD = 8
_LSEG = 10
_LOCAL = 11


def _tc_body(tgt_ref, tgtc_ref, ps_ref, proto_ref, mask_ref, ch4_ref,
             loss_ref, stats_ref, acc_ref, vfr_ref):
    l = pl.program_id(1)
    p = pl.program_id(2)
    f32 = jnp.float32
    first = ((pl.program_id(0) == 0) & (l == 0) & (p == 0))
    last = ((pl.program_id(0) == BS - 1) & (l == NL - 1) & (p == PTILES - 1))

    @pl.when(first)
    def _init():
        for s in range(_LSEG + 1):
            acc_ref[s] = 0.0

    ps = ps_ref[0, 0]
    row_f = _fiota((ROWS, 1), 0)
    rowg = jnp.floor(row_f * 0.05000001)
    rowt = row_f - 20.0 * rowg
    oh20 = (rowt == _fiota((1, NT_PER), 1)).astype(f32)

    @pl.when(p == 0)
    def _per_level_image():
        tg = tgt_ref[0]
        cls_t = tg[1:2, :]
        gx = tg[2:3, :] * 64.0
        gy = tg[3:4, :] * 64.0
        gw = tg[4:5, :] * 64.0
        gh = tg[5:6, :] * 64.0
        gvec = _fiota((NG, 1), 0)
        gc = jnp.minimum(gvec, 14.0)
        offi = jnp.floor(gc * 0.333333434)
        a_f = gc - 3.0 * offi
        aw = jnp.where(a_f < 0.5, 10.0, jnp.where(a_f < 1.5, 16.0, 33.0))
        ah = jnp.where(a_f < 0.5, 13.0, jnp.where(a_f < 1.5, 30.0, 23.0))
        offx = jnp.where(offi == 1.0, 0.5, jnp.where(offi == 3.0, -0.5, 0.0))
        offy = jnp.where(offi == 2.0, 0.5, jnp.where(offi == 4.0, -0.5, 0.0))
        rx = gw / aw
        ry = gh / ah
        rmax = jnp.maximum(jnp.maximum(rx, 1.0 / rx),
                           jnp.maximum(ry, 1.0 / ry))
        jv = jnp.where(rmax < 4.0, 1.0, 0.0)

        def _offmask(u):
            return jnp.where((u % 1.0 < 0.5) & (u > 1.0), 1.0, 0.0)

        jkx = _offmask(gx)
        jky = _offmask(gy)
        lmx = _offmask(64.0 - gx)
        lmy = _offmask(64.0 - gy)
        ones20 = jnp.ones((1, NT_PER), f32)
        om = jnp.where(
            offi == 0.0, ones20,
            jnp.where(offi == 1.0, jkx,
                      jnp.where(offi == 2.0, jky,
                                jnp.where(offi == 3.0, lmx, lmy))))
        valid = om * jv * jnp.where(gvec < 14.5, 1.0, 0.0)
        gijx = jnp.floor(gx - offx)
        gijy = jnp.floor(gy - offy)
        gi = jnp.clip(gijx, 0.0, GW - 1.0)
        gj = jnp.clip(gijy, 0.0, GH - 1.0)
        tbx = gx - gijx
        tby = gy - gijy
        key = a_f * 4096.0 + gj * 64.0 + gi
        fr = 1.0 / (4.0 * gw * gh)

        a_t = (rowg == _fiota((1, NG), 1)).astype(f32)

        def spread(m):
            mm = jnp.broadcast_to(m, (NG, NT_PER)).astype(f32)
            s = lax.dot_general(a_t, mm, (((1,), (0,)), ((), ())),
                                preferred_element_type=f32)
            return jnp.sum(s * oh20, axis=1, keepdims=True)

        v_r = spread(valid)
        vfr_ref[:, 0:1] = v_r
        vfr_ref[:, 1:2] = spread(fr) * v_r

        px = _sigmoid(ps[:, 0:1]) * 2.0 - 0.5
        py = _sigmoid(ps[:, 1:2]) * 2.0 - 0.5
        aw_r = spread(aw)
        ah_r = spread(ah)
        pw = (_sigmoid(ps[:, 2:3]) * 2.0) ** 2 * aw_r
        ph = (_sigmoid(ps[:, 3:4]) * 2.0) ** 2 * ah_r
        tx = spread(tbx)
        ty = spread(tby)
        tw = spread(gw)
        th = spread(gh)
        b1x1, b1x2 = px - pw * 0.5, px + pw * 0.5
        b1y1, b1y2 = py - ph * 0.5, py + ph * 0.5
        b2x1, b2x2 = tx - tw * 0.5, tx + tw * 0.5
        b2y1, b2y2 = ty - th * 0.5, ty + th * 0.5
        inter = (jnp.clip(jnp.minimum(b1x2, b2x2) - jnp.maximum(b1x1, b2x1), 0.0)
                 * jnp.clip(jnp.minimum(b1y2, b2y2) - jnp.maximum(b1y1, b2y1), 0.0))
        union = pw * ph + tw * th - inter + 1e-7
        iou = inter / union
        cw = jnp.maximum(b1x2, b2x2) - jnp.minimum(b1x1, b2x1)
        chh = jnp.maximum(b1y2, b2y2) - jnp.minimum(b1y1, b2y1)
        c2 = cw * cw + chh * chh + 1e-7
        rho2 = ((b2x1 + b2x2 - b1x1 - b1x2) ** 2
                + (b2y1 + b2y2 - b1y1 - b1y2) ** 2) * 0.25
        vv = (4.0 / math.pi**2) * (_atan_pos(tw / th) - _atan_pos(pw / ph)) ** 2
        alpha = vv / (vv - iou + (1.0 + 1e-7))
        ciou = iou - (rho2 / c2 + vv * alpha)
        acc_ref[_CNT + l] += jnp.sum(v_r)
        acc_ref[_LBOX + l] += jnp.sum((1.0 - ciou) * v_r)

        pcls = ps[:, 5:5 + NC_CLS]
        c_r = spread(cls_t)
        tcm = CN + (CP - CN) * (
            _fiota((1, NC_CLS), 1) == c_r).astype(f32)
        bcec = jnp.sum(_softplus(pcls) - pcls * tcm, axis=1, keepdims=True)
        acc_ref[_LCLS + l] += jnp.sum(bcec * v_r)

        acc_ref[_SP + l] += jnp.sum(_softplus(ch4_ref[0, 0]))

        key_r = spread(key)
        ident = (_fiota((ROWS, ROWS), 0)
                 == _fiota((ROWS, ROWS), 1)).astype(f32)
        kv = jnp.concatenate([key_r, v_r], axis=1)
        kv_t = lax.dot_general(kv, ident, (((0,), (0,)), ((), ())),
                               preferred_element_type=f32)
        key_t = kv_t[0:1, :]
        val_t = kv_t[1:2, :]
        ord_r = _fiota((ROWS, 1), 0)
        ord_t = _fiota((1, ROWS), 1)
        later = ((ord_t > ord_r) & (key_t == key_r)
                 & (val_t > 0.5)).astype(f32)
        overwritten = jnp.max(later, axis=1, keepdims=True)
        winner = v_r * (1.0 - overwritten)
        ioud = jnp.clip(ciou, 0.0)
        acc_ref[_XD + l] += jnp.sum(winner * ps[:, 4:5] * ioud)

        acc_ref[_LOCAL] = 0.0

    tc6 = tgtc_ref[0]

    def col(j):
        sel = (_fiota((1, 6), 1) == float(j)).astype(f32)
        return jnp.sum(tc6 * sel, axis=1, keepdims=True)

    gxc = col(2) * 64.0
    gyc = col(3) * 64.0
    gwc = col(4) * 64.0
    ghc = col(5) * 64.0
    x1c = 2.0 * gxc - gwc
    x2c = 2.0 * gxc + gwc
    y1c = 2.0 * gyc - ghc
    y2c = 2.0 * gyc + ghc
    q = _fiota((1, PCHUNK), 1)
    yrow = jnp.floor(q * (1.0 / 128.0))
    xg = q - 128.0 * yrow
    yg = yrow + float(PCHUNK // 128) * p.astype(f32)
    crop20 = ((xg >= x1c) & (xg < x2c) & (yg >= y1c)
              & (yg < y2c)).astype(f32)
    mrow = mask_ref[0, 0]
    tvec = _fiota((NT_PER, 1), 0) + 1.0
    w20 = jnp.where(mrow == tvec, crop20, 0.0)

    bf16 = jnp.bfloat16
    pmask = ps[:, 5 + NC_CLS:]
    proto_t = proto_ref[0]
    qmat = lax.dot_general(proto_t, w20, (((1,), (1,)), ((), ())),
                           preferred_element_type=f32)
    pq = lax.dot_general(pmask, qmat, (((1,), (0,)), ((), ())),
                         preferred_element_type=f32)
    pm16 = lax.dot_general(pmask.astype(bf16), proto_t.astype(bf16),
                           (((1,), (0,)), ((), ())),
                           preferred_element_type=f32).astype(bf16)
    sp16 = jnp.log1p(jnp.exp(pm16))
    spq = lax.dot_general(sp16, crop20.astype(bf16), (((1,), (1,)), ((), ())),
                          preferred_element_type=f32)
    per = jnp.sum((spq - pq) * oh20, axis=1, keepdims=True)
    acc_ref[_LOCAL] += jnp.sum(per * vfr_ref[:, 1:2])

    @pl.when(p == PTILES - 1)
    def _finish_image_level():
        scnt = jnp.sum(vfr_ref[:, 0:1])
        acc_ref[_LSEG] += jnp.where(
            scnt > 0.0, acc_ref[_LOCAL] / jnp.maximum(scnt, 1.0), 0.0)

    @pl.when(last)
    def _finalize():
        lbox = 0.0
        lcls = 0.0
        lobj = 0.0
        for lv in range(NL):
            cnt = acc_ref[_CNT + lv]
            den = jnp.maximum(cnt, 1.0)
            lbox += jnp.where(cnt > 0.0, acc_ref[_LBOX + lv] / den, 0.0)
            lcls += jnp.where(cnt > 0.0,
                              acc_ref[_LCLS + lv] / (den * NC_CLS), 0.0)
            lobj += ((acc_ref[_SP + lv] - acc_ref[_XD + lv])
                     / (BS * NA * GH * GW) * BALANCE[lv])
        lseg = acc_ref[_LSEG] / BS
        loss_ref[0] = (lbox + lobj + lcls + lseg) * BS
        stats_ref[0] = lbox
        stats_ref[1] = lseg
        stats_ref[2] = lobj
        stats_ref[3] = lcls


def _tc_loss(tgt_t, tgt_c, ps_g, proto3, mask3, ch4):
    grid = (BS, NL, PTILES)
    return pl.pallas_call(
        _tc_body,
        grid=grid,
        in_specs=[
            pl.BlockSpec((1, 6, NT_PER), lambda b, l, p: (b, 0, 0)),
            pl.BlockSpec((1, NT_PER, 6), lambda b, l, p: (b, 0, 0)),
            pl.BlockSpec((1, 1, ROWS, NO), lambda b, l, p: (l, b, 0, 0)),
            pl.BlockSpec((1, NM, PCHUNK), lambda b, l, p: (b, 0, p)),
            pl.BlockSpec((1, 1, PCHUNK), lambda b, l, p: (b, 0, p)),
            pl.BlockSpec((1, 1, (NA * GH * GW) // 128, 128),
                         lambda b, l, p: (l, b, 0, 0)),
        ],
        out_specs=(
            pl.BlockSpec(memory_space=pltpu.SMEM),
            pl.BlockSpec(memory_space=pltpu.SMEM),
        ),
        out_shape=(
            jax.ShapeDtypeStruct((1,), jnp.float32),
            jax.ShapeDtypeStruct((4,), jnp.float32),
        ),
        scratch_shapes=[
            pltpu.SMEM((12,), jnp.float32),
            pltpu.VMEM((ROWS, 2), jnp.float32),
        ],
    )(tgt_t, tgt_c, ps_g, proto3, mask3, ch4)


def kernel(segments, proto, targets, masks):
    idx = _row_indices(targets)
    table_flat = segments.reshape(NL * BS * NA * GH * GW * NO)
    gath = _sc_gather_rows(table_flat, idx)
    ps_g = gath[:, :_PS_ROWS_W].reshape(NL, BS, ROWS, NO)
    ch4 = gath[:, _PS_ROWS_W:].reshape(NL, BS, (NA * GH * GW) // 128, 128)
    tgt_t = targets.reshape(BS, NT_PER, 6).transpose(0, 2, 1)
    tgt_c = targets.reshape(BS, NT_PER, 6)
    proto3 = proto.reshape(BS, NM, MH * MW)
    mask3 = masks.reshape(BS, 1, MH * MW)
    loss, stats = _tc_loss(tgt_t, tgt_c, ps_g, proto3, mask3, ch4)
    return loss, stats

# --- scband reference (transcript-rebuilt; emitter-appended) ---
"""Pipeline reference for scband-bevloss-12893491822667 (READ-ONLY COPY).

The authoritative reference and input builder live on the scoring server;
editing this copy changes nothing except your own understanding.
"""

import jax, jax.numpy as jnp
import numpy as np
import math

NL=2; NA=3; NC=23; NM=32; BS=8; GH=64; GW=64; MH=128; MW=128; NT_PER=20
NO=5+NC+NM
ANCHORS=np.array([[10.,13.,16.,30.,33.,23.],[10.,13.,16.,30.,33.,23.]],dtype=np.float32).reshape(NL,NA,2)
ANCHOR_T=4.0; EPS=1e-5
CP,CN=1.0-0.5*EPS,0.5*EPS
BALANCE=[4.0,4.0]
W_BOX=1.0; W_OBJ=1.0; W_CLS=1.0

def setup_inputs():
    key=jax.random.key(0)
    k1,k2=jax.random.split(key,2)
    segments=jax.random.normal(k1,(NL,BS,NA,GH,GW,NO),dtype=jnp.float32)
    proto=jax.random.normal(k2,(BS,NM,MH,MW),dtype=jnp.float32)
    rng=np.random.default_rng(0)
    nt=BS*NT_PER
    tb=np.repeat(np.arange(BS),NT_PER).astype(np.float32)
    tc=rng.integers(0,NC,nt).astype(np.float32)
    xy=rng.uniform(0.2,0.8,(nt,2)).astype(np.float32)
    wh=rng.uniform(0.05,0.3,(nt,2)).astype(np.float32)
    targets=jnp.asarray(np.concatenate([tb[:,None],tc[:,None],xy,wh],axis=1))
    masks=jnp.asarray(rng.integers(0,NT_PER+1,(BS,MH,MW)).astype(np.float32))
    return {"segments":segments,"proto":proto,"targets":targets,"masks":masks}

def build_targets(targets):
    na=NA
    nt=targets.shape[0]
    tb=targets[:,0]
    eq=(tb[None,:]==tb[:,None]).astype(jnp.float32)
    tril=jnp.tril(jnp.ones((nt,nt),dtype=jnp.float32))
    ti_row=(eq*tril).sum(1)
    ai=jnp.tile(jnp.arange(na,dtype=jnp.float32).reshape(na,1),(1,nt))
    ti=jnp.tile(ti_row.reshape(1,nt),(na,1))
    t_all=jnp.concatenate([jnp.tile(targets[None],(na,1,1)),ai[...,None],ti[...,None]],axis=2)
    g=0.5
    off=jnp.asarray(np.array([[0,0],[1,0],[0,1],[-1,0],[0,-1]],dtype=np.float32)*g)
    out=[]
    for i in range(NL):
        anchors=jnp.asarray(ANCHORS[i])
        H,W=GH,GW
        gain=jnp.asarray(np.array([1,1,W,H,W,H,1,1],dtype=np.float32))
        t=t_all*gain
        r=t[...,4:6]/anchors[:,None]
        j=jnp.maximum(r,1.0/r).max(2)<ANCHOR_T
        gxy=t[...,2:4]
        gxi=jnp.asarray(np.array([W,H],dtype=np.float32))-gxy
        jk=(gxy%1.0<g)&(gxy>1.0)
        lmq=(gxi%1.0<g)&(gxi>1.0)
        jj,kk=jk[...,0],jk[...,1]
        ll,mm=lmq[...,0],lmq[...,1]
        jmask=jnp.stack([jnp.ones_like(jj),jj,kk,ll,mm])
        valid=(jmask&j[None]).reshape(-1)
        t5=jnp.broadcast_to(t[None],(5,)+t.shape).reshape(-1,8)
        offsets=jnp.broadcast_to(off[:,None,None,:],(5,na,nt,2)).reshape(-1,2)
        b=t5[:,0].astype(jnp.int32); c=t5[:,1].astype(jnp.int32)
        gxyf=t5[:,2:4]; gwh=t5[:,4:6]
        a=t5[:,6].astype(jnp.int32); tidx=t5[:,7]
        gij=(gxyf-offsets).astype(jnp.int32)
        gi_=jnp.clip(gij[:,0],0,W-1); gj_=jnp.clip(gij[:,1],0,H-1)
        tbox=jnp.concatenate([gxyf-gij.astype(jnp.float32),gwh],1)
        anch=anchors[a]
        xywhn=jnp.concatenate([gxyf,gwh],1)/jnp.asarray(np.array([W,H,W,H],dtype=np.float32))
        out.append((c,tbox,(b,a,gj_,gi_),anch,tidx,xywhn,valid))
    return out

def bce_mean(x,t):
    return jnp.mean(jnp.maximum(x,0)-x*t+jnp.log1p(jnp.exp(-jnp.abs(x))))

def bce_none(x,t):
    return jnp.maximum(x,0)-x*t+jnp.log1p(jnp.exp(-jnp.abs(x)))

def bbox_iou_ciou(box1,box2,eps=1e-7):
    x1,y1,w1,h1=jnp.split(box1,4,axis=-1)
    x2,y2,w2,h2=jnp.split(box2,4,axis=-1)
    b1x1,b1x2,b1y1,b1y2=x1-w1/2,x1+w1/2,y1-h1/2,y1+h1/2
    b2x1,b2x2,b2y1,b2y2=x2-w2/2,x2+w2/2,y2-h2/2,y2+h2/2
    inter=jnp.clip(jnp.minimum(b1x2,b2x2)-jnp.maximum(b1x1,b2x1),0,None)*jnp.clip(jnp.minimum(b1y2,b2y2)-jnp.maximum(b1y1,b2y1),0,None)
    union=w1*h1+w2*h2-inter+eps
    iou=inter/union
    cw=jnp.maximum(b1x2,b2x2)-jnp.minimum(b1x1,b2x1)
    ch=jnp.maximum(b1y2,b2y2)-jnp.minimum(b1y1,b2y1)
    c2=cw**2+ch**2+eps
    rho2=((b2x1+b2x2-b1x1-b1x2)**2+(b2y1+b2y2-b1y1-b1y2)**2)/4
    v=4/math.pi**2*(jnp.arctan(w2/h2)-jnp.arctan(w1/h1))**2
    alpha=jax.lax.stop_gradient(v/(v-iou+(1+eps)))
    return iou-(rho2/c2+v*alpha)

def crop_mask(m,boxes):
    n,h,w=m.shape
    x1,y1,x2,y2=jnp.split(boxes[:,:,None],4,axis=1)
    r=jnp.arange(w,dtype=boxes.dtype)[None,None,:]
    c=jnp.arange(h,dtype=boxes.dtype)[None,:,None]
    return m*((r>=x1)*(r<x2)*(c>=y1)*(c<y2))

def _compute_loss(segments,proto,masks,targets):
    bs,nm,mask_h,mask_w=proto.shape
    tgt=build_targets(targets)
    lcls=jnp.zeros((1,),jnp.float32); lbox=jnp.zeros((1,),jnp.float32)
    lobj=jnp.zeros((1,),jnp.float32); lseg=jnp.zeros((1,),jnp.float32)
    for i in range(NL):
        seg=segments[i]
        c,tbox,(b,a,gj_,gi_),anch,tidx,xywhn,valid=tgt[i]
        tobj=jnp.zeros(seg.shape[:4],dtype=seg.dtype)
        vf=valid.astype(jnp.float32)
        cnt=vf.sum()
        den=jnp.maximum(cnt,1.0)
        ps=seg[b,a,gj_,gi_]
        pxy=ps[:,0:2]; pwh=ps[:,2:4]; pcls=ps[:,5:5+NC]; pmask=ps[:,5+NC:]
        pxy=jax.nn.sigmoid(pxy)*2-0.5
        pwh=(jax.nn.sigmoid(pwh)*2)**2*anch
        pbox=jnp.concatenate([pxy,pwh],axis=1)
        iou=bbox_iou_ciou(pbox,tbox).squeeze()
        lbox=lbox+jnp.where(cnt>0,jnp.sum((1.0-iou)*vf)/den,0.0)
        iou_d=jnp.clip(jax.lax.stop_gradient(iou),0,None).astype(tobj.dtype)
        bsafe=jnp.where(valid,b,BS)
        tobj=tobj.at[(bsafe,a,gj_,gi_)].set(iou_d,mode='drop')
        tcm=CN+(CP-CN)*jax.nn.one_hot(c,NC,dtype=jnp.float32)
        lcls=lcls+jnp.where(cnt>0,jnp.sum(bce_none(pcls,tcm)*vf[:,None])/(den*NC),0.0)
        marea=xywhn[:,2:].prod(1)
        sc=jnp.asarray(np.array([mask_w,mask_h,mask_w,mask_h],dtype=np.float32))
        xs=xywhn*sc
        mxyxy=jnp.stack([xs[:,0]-xs[:,2]/2,xs[:,1]-xs[:,3]/2,xs[:,0]+xs[:,2]/2,xs[:,1]+xs[:,3]/2],axis=1)
        for bi in range(BS):
            selm=valid&(b==bi)
            sf=selm.astype(jnp.float32)
            scnt=sf.sum()
            mask_gti=jnp.where(masks[bi][None,:,:]==tidx.reshape(-1,1,1),1.0,0.0)
            pm=(pmask@proto[bi].reshape(NM,-1)).reshape(-1,mask_h,mask_w)
            lm=bce_none(pm,mask_gti)
            per=crop_mask(lm,mxyxy).mean(axis=(1,2))/marea
            lseg=lseg+jnp.where(scnt>0,jnp.sum(per*sf)/jnp.maximum(scnt,1.0),0.0)
        lobj=lobj+bce_mean(seg[...,4],tobj)*BALANCE[i]
    lbox=lbox*W_BOX; lobj=lobj*W_OBJ; lcls=lcls*W_CLS; lseg=lseg*W_BOX/bs
    loss=(lbox+lobj+lcls+lseg)*bs
    stats=jax.lax.stop_gradient(jnp.concatenate([lbox,lseg,lobj,lcls]))
    return loss,stats

def reference(segments,proto,targets,masks):
    return _compute_loss(segments,proto,masks,targets)

if __name__ == "__main__":
    import jax
    _d = setup_inputs()
    print(jax.jit(kernel)(*tuple(_d.values())))

</pallas_src>

<mosaic_0001>
#map = affine_map<(d0, d1) -> (0)>
#map1 = affine_map<(d0, d1) -> (0, 0, 0)>
module attributes {stable_mosaic.version = 14 : i64} {
  func.func @gather_kernel(%arg0: i32, %arg1: i32, %arg2: memref<11796480xf32, #tpu.memory_space<hbm>>, %arg3: memref<32x123x128xi32, #tpu.memory_space<hbm>>, %arg4: memref<32x123x128xf32, #tpu.memory_space<hbm>>, %arg5: memref<123x128xi32, #tpu.memory_space<vmem>>, %arg6: memref<123x128xf32, #tpu.memory_space<vmem>>, %arg7: memref<!tpu.dma_semaphore, #tpu.memory_space<semaphore_mem>>) attributes {dimension_semantics = [#tpu.dimension_semantics<core_parallel>, #tpu.dimension_semantics<subcore_parallel>], iteration_bounds = array<i64: 2, 16>, scalar_prefetch = 0 : i64, scratch_operands = 3 : i64, tpu.core_type = #tpu.core_type<sc_vector_subcore>, window_params = [{transform_indices = #map}, {transform_indices = #map1}, {transform_indices = #map1}]} {
    %mul3A = arith.constant 2 : i32
    %mul3A_0 = arith.muli %arg1, %mul3A : i32
    %add3A = arith.addi %mul3A_0, %arg0 : i32
    "tpu.region"() ({
      %run_scoped3A = tpu.sem_alloc : memref<!tpu.dma_semaphore, #tpu.memory_space<semaphore_mem>>
      %dma_start3A = arith.constant 0 : i32
      %dma_start3A_12 = arith.constant 0 : i32
      %dma_start3A_13 = tpu.memref_slice %arg3[%add3A, %dma_start3A, %dma_start3A_12] : memref<32x123x128xi32, #tpu.memory_space<hbm>> -> memref<1x123x128xi32, #tpu.memory_space<hbm>>
      %dma_start3A_14 = tpu.memref_squeeze %dma_start3A_13 : memref<1x123x128xi32, #tpu.memory_space<hbm>> -> memref<123x128xi32, #tpu.memory_space<hbm>>
      %dma_start3A_15 = arith.constant 0 : i32
      %dma_start3A_16 = arith.constant 0 : i32
      %dma_start3A_17 = tpu.memref_slice %arg3[%add3A, %dma_start3A_15, %dma_start3A_16] : memref<32x123x128xi32, #tpu.memory_space<hbm>> -> memref<1x123x128xi32, #tpu.memory_space<hbm>>
      %dma_start3A_18 = tpu.memref_squeeze %dma_start3A_17 : memref<1x123x128xi32, #tpu.memory_space<hbm>> -> memref<123x128xi32, #tpu.memory_space<hbm>>
      tpu.enqueue_dma source(%dma_start3A_18 : memref<123x128xi32, #tpu.memory_space<hbm>>) target(%arg5 : memref<123x128xi32, #tpu.memory_space<vmem>>) target_semaphore(%run_scoped3A : memref<!tpu.dma_semaphore, #tpu.memory_space<semaphore_mem>>)
      %dma_wait3A = arith.constant 0 : i32
      %dma_wait3A_19 = arith.constant 0 : i32
      %dma_wait3A_20 = tpu.memref_slice %arg3[%add3A, %dma_wait3A, %dma_wait3A_19] : memref<32x123x128xi32, #tpu.memory_space<hbm>> -> memref<1x123x128xi32, #tpu.memory_space<hbm>>
      %dma_wait3A_21 = tpu.memref_squeeze %dma_wait3A_20 : memref<1x123x128xi32, #tpu.memory_space<hbm>> -> memref<123x128xi32, #tpu.memory_space<hbm>>
      %dma_wait3A_22 = arith.constant 0 : i32
      %dma_wait3A_23 = arith.constant 0 : i32
      %dma_wait3A_24 = tpu.memref_slice %arg3[%add3A, %dma_wait3A_22, %dma_wait3A_23] : memref<32x123x128xi32, #tpu.memory_space<hbm>> -> memref<1x123x128xi32, #tpu.memory_space<hbm>>
      %dma_wait3A_25 = tpu.memref_squeeze %dma_wait3A_24 : memref<1x123x128xi32, #tpu.memory_space<hbm>> -> memref<123x128xi32, #tpu.memory_space<hbm>>
      tpu.wait_dma2 semaphore(%run_scoped3A : memref<!tpu.dma_semaphore, #tpu.memory_space<semaphore_mem>>) src(%dma_wait3A_25 : memref<123x128xi32, #tpu.memory_space<hbm>>) dst(%arg5 : memref<123x128xi32, #tpu.memory_space<vmem>>)
      tpu.yield
    }) : () -> ()
    %scan3A = arith.constant 0 : i32
    %scan3A_1 = arith.constant 0 : i32
    %scan3A_2 = arith.constant 123 : i32
    %scan3A_3 = arith.addi %scan3A_1, %scan3A_2 : i32
    %scan3A_4 = arith.constant 1 : i32
    scf.for %scan3A_12 = %scan3A_1 to %scan3A_3 step %scan3A_4  : i32 {
      %dma_start3A = arith.constant 0 : i32
      %dma_start3A_13 = tpu.memref_slice %arg6[%scan3A_12, %dma_start3A] : memref<123x128xf32, #tpu.memory_space<vmem>> -> memref<1x128xf32, #tpu.memory_space<vmem>>
      %dma_start3A_14 = tpu.memref_squeeze %dma_start3A_13 : memref<1x128xf32, #tpu.memory_space<vmem>> -> memref<128xf32, #tpu.memory_space<vmem>>
      %dma_start3A_15 = arith.constant 0 : i32
      %dma_start3A_16 = tpu.memref_slice %arg5[%scan3A_12, %dma_start3A_15] : memref<123x128xi32, #tpu.memory_space<vmem>> -> memref<1x128xi32, #tpu.memory_space<vmem>>
      %dma_start3A_17 = tpu.memref_squeeze %dma_start3A_16 : memref<1x128xi32, #tpu.memory_space<vmem>> -> memref<128xi32, #tpu.memory_space<vmem>>
      %dma_start3A_18 = arith.constant 0 : i32
      %dma_start3A_19 = tpu.memref_slice %arg2[%dma_start3A_18] : memref<11796480xf32, #tpu.memory_space<hbm>> -> memref<11796480xf32, #tpu.memory_space<hbm>>
      tpu.enqueue_indirect_dma source(%dma_start3A_19 : memref<11796480xf32, #tpu.memory_space<hbm>>) target(%dma_start3A_14 : memref<128xf32, #tpu.memory_space<vmem>>) offsets(%dma_start3A_17 : memref<128xi32, #tpu.memory_space<vmem>>) semaphore(%arg7 : memref<!tpu.dma_semaphore, #tpu.memory_space<semaphore_mem>>)
    }
    %scan3A_5 = arith.constant 123 : i32
    %scan3A_6 = arith.constant 0 : i32
    %scan3A_7 = arith.constant 0 : i32
    %scan3A_8 = arith.constant 123 : i32
    %scan3A_9 = arith.addi %scan3A_7, %scan3A_8 : i32
    %scan3A_10 = arith.constant 1 : i32
    scf.for %scan3A_12 = %scan3A_7 to %scan3A_9 step %scan3A_10  : i32 {
      %dma_wait3A = arith.constant 0 : i32
      %dma_wait3A_13 = tpu.memref_slice %arg6[%scan3A_12, %dma_wait3A] : memref<123x128xf32, #tpu.memory_space<vmem>> -> memref<1x128xf32, #tpu.memory_space<vmem>>
      %dma_wait3A_14 = tpu.memref_squeeze %dma_wait3A_13 : memref<1x128xf32, #tpu.memory_space<vmem>> -> memref<128xf32, #tpu.memory_space<vmem>>
      %dma_wait3A_15 = arith.constant 0 : i32
      %dma_wait3A_16 = tpu.memref_slice %arg5[%scan3A_12, %dma_wait3A_15] : memref<123x128xi32, #tpu.memory_space<vmem>> -> memref<1x128xi32, #tpu.memory_space<vmem>>
      %dma_wait3A_17 = tpu.memref_squeeze %dma_wait3A_16 : memref<1x128xi32, #tpu.memory_space<vmem>> -> memref<128xi32, #tpu.memory_space<vmem>>
      %dma_wait3A_18 = arith.constant 0 : i32
      %dma_wait3A_19 = tpu.memref_slice %arg2[%dma_wait3A_18] : memref<11796480xf32, #tpu.memory_space<hbm>> -> memref<11796480xf32, #tpu.memory_space<hbm>>
      tpu.wait_indirect_dma semaphore(%arg7 : memref<!tpu.dma_semaphore, #tpu.memory_space<semaphore_mem>>) src(%dma_wait3A_19 : memref<11796480xf32, #tpu.memory_space<hbm>>) dst(%dma_wait3A_14 : memref<128xf32, #tpu.memory_space<vmem>>)
    }
    %scan3A_11 = arith.constant 123 : i32
    "tpu.region"() ({
      %run_scoped3A = tpu.sem_alloc : memref<!tpu.dma_semaphore, #tpu.memory_space<semaphore_mem>>
      %dma_start3A = arith.constant 0 : i32
      %dma_start3A_12 = arith.constant 0 : i32
      %dma_start3A_13 = tpu.memref_slice %arg4[%add3A, %dma_start3A, %dma_start3A_12] : memref<32x123x128xf32, #tpu.memory_space<hbm>> -> memref<1x123x128xf32, #tpu.memory_space<hbm>>
      %dma_start3A_14 = tpu.memref_squeeze %dma_start3A_13 : memref<1x123x128xf32, #tpu.memory_space<hbm>> -> memref<123x128xf32, #tpu.memory_space<hbm>>
      %dma_start3A_15 = arith.constant 0 : i32
      %dma_start3A_16 = arith.constant 0 : i32
      %dma_start3A_17 = tpu.memref_slice %arg4[%add3A, %dma_start3A_15, %dma_start3A_16] : memref<32x123x128xf32, #tpu.memory_space<hbm>> -> memref<1x123x128xf32, #tpu.memory_space<hbm>>
      %dma_start3A_18 = tpu.memref_squeeze %dma_start3A_17 : memref<1x123x128xf32, #tpu.memory_space<hbm>> -> memref<123x128xf32, #tpu.memory_space<hbm>>
      tpu.enqueue_dma source(%arg6 : memref<123x128xf32, #tpu.memory_space<vmem>>) target(%dma_start3A_18 : memref<123x128xf32, #tpu.memory_space<hbm>>) target_semaphore(%run_scoped3A : memref<!tpu.dma_semaphore, #tpu.memory_space<semaphore_mem>>)
      %dma_wait3A = arith.constant 0 : i32
      %dma_wait3A_19 = arith.constant 0 : i32
      %dma_wait3A_20 = tpu.memref_slice %arg4[%add3A, %dma_wait3A, %dma_wait3A_19] : memref<32x123x128xf32, #tpu.memory_space<hbm>> -> memref<1x123x128xf32, #tpu.memory_space<hbm>>
      %dma_wait3A_21 = tpu.memref_squeeze %dma_wait3A_20 : memref<1x123x128xf32, #tpu.memory_space<hbm>> -> memref<123x128xf32, #tpu.memory_space<hbm>>
      %dma_wait3A_22 = arith.constant 0 : i32
      %dma_wait3A_23 = arith.constant 0 : i32
      %dma_wait3A_24 = tpu.memref_slice %arg4[%add3A, %dma_wait3A_22, %dma_wait3A_23] : memref<32x123x128xf32, #tpu.memory_space<hbm>> -> memref<1x123x128xf32, #tpu.memory_space<hbm>>
      %dma_wait3A_25 = tpu.memref_squeeze %dma_wait3A_24 : memref<1x123x128xf32, #tpu.memory_space<hbm>> -> memref<123x128xf32, #tpu.memory_space<hbm>>
      tpu.wait_dma2 semaphore(%run_scoped3A : memref<!tpu.dma_semaphore, #tpu.memory_space<semaphore_mem>>) src(%arg6 : memref<123x128xf32, #tpu.memory_space<vmem>>) dst(%dma_wait3A_25 : memref<123x128xf32, #tpu.memory_space<hbm>>)
      tpu.yield
    }) : () -> ()
    return
  }
}

module attributes {stable_mosaic.version = 14 : i64} {
  func.func @_tc_body(%arg0: i32, %arg1: i32, %arg2: i32, %arg3: memref<1x6x20xf32, #tpu.memory_space<vmem>>, %arg4: memref<1x20x6xf32, #tpu.memory_space<vmem>>, %arg5: memref<1x1x320x60xf32, #tpu.memory_space<vmem>>, %arg6: memref<1x32x8192xf32, #tpu.memory_space<vmem>>, %arg7: memref<1x1x8192xf32, #tpu.memory_space<vmem>>, %arg8: memref<1x1x96x128xf32, #tpu.memory_space<vmem>>, %arg9: memref<1xf32, #tpu.memory_space<smem>>, %arg10: memref<4xf32, #tpu.memory_space<smem>>, %arg11: memref<12xf32, #tpu.memory_space<smem>>, %arg12: memref<320x2xf32, #tpu.memory_space<vmem>>) attributes {dimension_semantics = [#tpu.dimension_semantics<arbitrary>, #tpu.dimension_semantics<arbitrary>, #tpu.dimension_semantics<arbitrary>], iteration_bounds = array<i64: 8, 2, 2>, scalar_prefetch = 0 : i64, scratch_operands = 2 : i64, tpu.core_type = #tpu.core_type<tc>, window_params = [{transform_indices = @transform_0, window_bounds = array<i64: 1, 6, 20>}, {transform_indices = @transform_1, window_bounds = array<i64: 1, 20, 6>}, {transform_indices = @transform_2, window_bounds = array<i64: 1, 1, 320, 60>}, {transform_indices = @transform_3, window_bounds = array<i64: 1, 32, 8192>}, {transform_indices = @transform_4, window_bounds = array<i64: 1, 1, 8192>}, {transform_indices = @transform_5, window_bounds = array<i64: 1, 1, 96, 128>}, {transform_indices = @transform_6, window_bounds = array<i64: 1>}, {transform_indices = @transform_7, window_bounds = array<i64: 4>}]} {
    %eq3A = arith.constant 0 : i32
    %eq3A_0 = arith.cmpi eq, %arg0, %eq3A : i32
    %eq3A_1 = arith.constant 0 : i32
    %eq3A_2 = arith.cmpi eq, %arg1, %eq3A_1 : i32
    %and3A = arith.andi %eq3A_0, %eq3A_2 : i1
    %eq3A_3 = arith.constant 0 : i32
    %eq3A_4 = arith.cmpi eq, %arg2, %eq3A_3 : i32
    %and3A_5 = arith.andi %and3A, %eq3A_4 : i1
    %eq3A_6 = arith.constant 7 : i32
    %eq3A_7 = arith.cmpi eq, %arg0, %eq3A_6 : i32
    %eq3A_8 = arith.constant 1 : i32
    %eq3A_9 = arith.cmpi eq, %arg1, %eq3A_8 : i32
    %and3A_10 = arith.andi %eq3A_7, %eq3A_9 : i1
    %eq3A_11 = arith.constant 1 : i32
    %eq3A_12 = arith.cmpi eq, %arg2, %eq3A_11 : i32
    %and3A_13 = arith.andi %and3A_10, %eq3A_12 : i1
    %convert_element_type3A = arith.extui %and3A_5 : i1 to i32
    %cond3A = arith.constant 0 : i32
    %cond3A_14 = arith.cmpi ne, %convert_element_type3A, %cond3A : i32
    scf.if %cond3A_14 {
      %swap3A_203 = arith.constant 0.000000e+00 : f32
      %swap3A_204 = arith.constant 0 : index
      %swap3A_205 = memref.load %arg11[%swap3A_204] : memref<12xf32, #tpu.memory_space<smem>>
      memref.store %swap3A_203, %arg11[%swap3A_204] : memref<12xf32, #tpu.memory_space<smem>>
      %swap3A_206 = arith.constant 0.000000e+00 : f32
      %swap3A_207 = arith.constant 1 : index
      %swap3A_208 = memref.load %arg11[%swap3A_207] : memref<12xf32, #tpu.memory_space<smem>>
      memref.store %swap3A_206, %arg11[%swap3A_207] : memref<12xf32, #tpu.memory_space<smem>>
      %swap3A_209 = arith.constant 0.000000e+00 : f32
      %swap3A_210 = arith.constant 2 : index
      %swap3A_211 = memref.load %arg11[%swap3A_210] : memref<12xf32, #tpu.memory_space<smem>>
      memref.store %swap3A_209, %arg11[%swap3A_210] : memref<12xf32, #tpu.memory_space<smem>>
      %swap3A_212 = arith.constant 0.000000e+00 : f32
      %swap3A_213 = arith.constant 3 : index
      %swap3A_214 = memref.load %arg11[%swap3A_213] : memref<12xf32, #tpu.memory_space<smem>>
      memref.store %swap3A_212, %arg11[%swap3A_213] : memref<12xf32, #tpu.memory_space<smem>>
      %swap3A_215 = arith.constant 0.000000e+00 : f32
      %swap3A_216 = arith.constant 4 : index
      %swap3A_217 = memref.load %arg11[%swap3A_216] : memref<12xf32, #tpu.memory_space<smem>>
      memref.store %swap3A_215, %arg11[%swap3A_216] : memref<12xf32, #tpu.memory_space<smem>>
      %swap3A_218 = arith.constant 0.000000e+00 : f32
      %swap3A_219 = arith.constant 5 : index
      %swap3A_220 = memref.load %arg11[%swap3A_219] : memref<12xf32, #tpu.memory_space<smem>>
      memref.store %swap3A_218, %arg11[%swap3A_219] : memref<12xf32, #tpu.memory_space<smem>>
      %swap3A_221 = arith.constant 0.000000e+00 : f32
      %swap3A_222 = arith.constant 6 : index
      %swap3A_223 = memref.load %arg11[%swap3A_222] : memref<12xf32, #tpu.memory_space<smem>>
      memref.store %swap3A_221, %arg11[%swap3A_222] : memref<12xf32, #tpu.memory_space<smem>>
      %swap3A_224 = arith.constant 0.000000e+00 : f32
      %swap3A_225 = arith.constant 7 : index
      %swap3A_226 = memref.load %arg11[%swap3A_225] : memref<12xf32, #tpu.memory_space<smem>>
      memref.store %swap3A_224, %arg11[%swap3A_225] : memref<12xf32, #tpu.memory_space<smem>>
      %swap3A_227 = arith.constant 0.000000e+00 : f32
      %swap3A_228 = arith.constant 8 : index
      %swap3A_229 = memref.load %arg11[%swap3A_228] : memref<12xf32, #tpu.memory_space<smem>>
      memref.store %swap3A_227, %arg11[%swap3A_228] : memref<12xf32, #tpu.memory_space<smem>>
      %swap3A_230 = arith.constant 0.000000e+00 : f32
      %swap3A_231 = arith.constant 9 : index
      %swap3A_232 = memref.load %arg11[%swap3A_231] : memref<12xf32, #tpu.memory_space<smem>>
      memref.store %swap3A_230, %arg11[%swap3A_231] : memref<12xf32, #tpu.memory_space<smem>>
      %swap3A_233 = arith.constant 0.000000e+00 : f32
      %swap3A_234 = arith.constant 10 : index
      %swap3A_235 = memref.load %arg11[%swap3A_234] : memref<12xf32, #tpu.memory_space<smem>>
      memref.store %swap3A_233, %arg11[%swap3A_234] : memref<12xf32, #tpu.memory_space<smem>>
    } else {
    }
    %get3A = arith.constant 0 : index
    %get3A_15 = arith.constant 0 : index
    %get3A_16 = arith.constant 0 : index
    %get3A_17 = arith.constant 0 : index
    %get3A_18 = vector.load %arg5[%get3A, %get3A_15, %get3A_16, %get3A_17] : memref<1x1x320x60xf32, #tpu.memory_space<vmem>>, vector<1x1x320x60xf32>
    %get3A_19 = vector.shape_cast %get3A_18 : vector<1x1x320x60xf32> to vector<320x60xf32>
    %iota3A = tpu.iota {dimensions = array<i32: 0>} : vector<320x1xi32>
    %convert_element_type3A_20 = arith.sitofp %iota3A : vector<320x1xi32> to vector<320x1xf32>
    %mul3A = arith.constant 0.0500000082 : f32
    %mul3A_21 = vector.broadcast %mul3A : f32 to vector<320x1xf32>
    %mul3A_22 = arith.mulf %convert_element_type3A_20, %mul3A_21 : vector<320x1xf32>
    %floor3A = math.floor %mul3A_22 : vector<320x1xf32>
    %mul3A_23 = arith.constant 2.000000e+01 : f32
    %mul3A_24 = vector.broadcast %mul3A_23 : f32 to vector<320x1xf32>
    %mul3A_25 = arith.mulf %mul3A_24, %floor3A : vector<320x1xf32>
    %sub3A = arith.subf %convert_element_type3A_20, %mul3A_25 : vector<320x1xf32>
    %iota3A_26 = tpu.iota {dimensions = array<i32: 1>} : vector<1x20xi32>
    %convert_element_type3A_27 = arith.sitofp %iota3A_26 : vector<1x20xi32> to vector<1x20xf32>
    %eq3A_28 = vector.broadcast %sub3A : vector<320x1xf32> to vector<320x20xf32>
    %eq3A_29 = vector.broadcast %convert_element_type3A_27 : vector<1x20xf32> to vector<320x20xf32>
    %eq3A_30 = arith.cmpf oeq, %eq3A_28, %eq3A_29 : vector<320x20xf32>
    %convert_element_type3A_31 = arith.extui %eq3A_30 : vector<320x20xi1> to vector<320x20xi32>
    %convert_element_type3A_32 = arith.sitofp %convert_element_type3A_31 : vector<320x20xi32> to vector<320x20xf32>
    %eq3A_33 = arith.constant 0 : i32
    %eq3A_34 = arith.cmpi eq, %arg2, %eq3A_33 : i32
    %convert_element_type3A_35 = arith.extui %eq3A_34 : i1 to i32
    %cond3A_36 = arith.constant 0 : i32
    %cond3A_37 = arith.cmpi ne, %convert_element_type3A_35, %cond3A_36 : i32
    scf.if %cond3A_37 {
      %get3A_203 = arith.constant 0 : index
      %get3A_204 = arith.constant 0 : index
      %get3A_205 = arith.constant 0 : index
      %get3A_206 = vector.load %arg3[%get3A_203, %get3A_204, %get3A_205] : memref<1x6x20xf32, #tpu.memory_space<vmem>>, vector<1x6x20xf32>
      %get3A_207 = vector.shape_cast %get3A_206 : vector<1x6x20xf32> to vector<6x20xf32>
      %slice3A_208 = vector.extract_strided_slice %get3A_207 {offsets = [1, 0], sizes = [1, 20], strides = [1, 1]} : vector<6x20xf32> to vector<1x20xf32>
      %slice3A_209 = vector.extract_strided_slice %get3A_207 {offsets = [2, 0], sizes = [1, 20], strides = [1, 1]} : vector<6x20xf32> to vector<1x20xf32>
      %mul3A_210 = arith.constant 6.400000e+01 : f32
      %mul3A_211 = vector.broadcast %mul3A_210 : f32 to vector<1x20xf32>
      %mul3A_212 = arith.mulf %slice3A_209, %mul3A_211 : vector<1x20xf32>
      %slice3A_213 = vector.extract_strided_slice %get3A_207 {offsets = [3, 0], sizes = [1, 20], strides = [1, 1]} : vector<6x20xf32> to vector<1x20xf32>
      %mul3A_214 = arith.constant 6.400000e+01 : f32
      %mul3A_215 = vector.broadcast %mul3A_214 : f32 to vector<1x20xf32>
      %mul3A_216 = arith.mulf %slice3A_213, %mul3A_215 : vector<1x20xf32>
      %slice3A_217 = vector.extract_strided_slice %get3A_207 {offsets = [4, 0], sizes = [1, 20], strides = [1, 1]} : vector<6x20xf32> to vector<1x20xf32>
      %mul3A_218 = arith.constant 6.400000e+01 : f32
      %mul3A_219 = vector.broadcast %mul3A_218 : f32 to vector<1x20xf32>
      %mul3A_220 = arith.mulf %slice3A_217, %mul3A_219 : vector<1x20xf32>
      %slice3A_221 = vector.extract_strided_slice %get3A_207 {offsets = [5, 0], sizes = [1, 20], strides = [1, 1]} : vector<6x20xf32> to vector<1x20xf32>
      %mul3A_222 = arith.constant 6.400000e+01 : f32
      %mul3A_223 = vector.broadcast %mul3A_222 : f32 to vector<1x20xf32>
      %mul3A_224 = arith.mulf %slice3A_221, %mul3A_223 : vector<1x20xf32>
      %iota3A_225 = tpu.iota {dimensions = array<i32: 0>} : vector<16x1xi32>
      %convert_element_type3A_226 = arith.sitofp %iota3A_225 : vector<16x1xi32> to vector<16x1xf32>
      %min3A = arith.constant 1.400000e+01 : f32
      %min3A_227 = vector.broadcast %min3A : f32 to vector<16x1xf32>
      %min3A_228 = arith.minimumf %convert_element_type3A_226, %min3A_227 : vector<16x1xf32>
      %mul3A_229 = arith.constant 0.333333433 : f32
      %mul3A_230 = vector.broadcast %mul3A_229 : f32 to vector<16x1xf32>
      %mul3A_231 = arith.mulf %min3A_228, %mul3A_230 : vector<16x1xf32>
      %floor3A_232 = math.floor %mul3A_231 : vector<16x1xf32>
      %mul3A_233 = arith.constant 3.000000e+00 : f32
      %mul3A_234 = vector.broadcast %mul3A_233 : f32 to vector<16x1xf32>
      %mul3A_235 = arith.mulf %mul3A_234, %floor3A_232 : vector<16x1xf32>
      %sub3A_236 = arith.subf %min3A_228, %mul3A_235 : vector<16x1xf32>
      %lt3A_237 = arith.constant 5.000000e-01 : f32
      %lt3A_238 = vector.broadcast %lt3A_237 : f32 to vector<16x1xf32>
      %lt3A_239 = arith.cmpf olt, %sub3A_236, %lt3A_238 : vector<16x1xf32>
      %lt3A_240 = arith.constant 1.500000e+00 : f32
      %lt3A_241 = vector.broadcast %lt3A_240 : f32 to vector<16x1xf32>
      %lt3A_242 = arith.cmpf olt, %sub3A_236, %lt3A_241 : vector<16x1xf32>
      %jit3A_243 = arith.constant 1.600000e+01 : f32
      %jit3A_244 = arith.constant 3.300000e+01 : f32
      %broadcast_in_dim3A_245 = vector.broadcast %jit3A_243 : f32 to vector<16x1xf32>
      %broadcast_in_dim3A_246 = vector.broadcast %jit3A_244 : f32 to vector<16x1xf32>
      %select_n3A_247 = arith.select %lt3A_242, %broadcast_in_dim3A_245, %broadcast_in_dim3A_246 : vector<16x1xi1>, vector<16x1xf32>
      %jit3A_248 = arith.constant 1.000000e+01 : f32
      %broadcast_in_dim3A_249 = vector.broadcast %jit3A_248 : f32 to vector<16x1xf32>
      %select_n3A_250 = arith.select %lt3A_239, %broadcast_in_dim3A_249, %select_n3A_247 : vector<16x1xi1>, vector<16x1xf32>
      %lt3A_251 = arith.constant 5.000000e-01 : f32
      %lt3A_252 = vector.broadcast %lt3A_251 : f32 to vector<16x1xf32>
      %lt3A_253 = arith.cmpf olt, %sub3A_236, %lt3A_252 : vector<16x1xf32>
      %lt3A_254 = arith.constant 1.500000e+00 : f32
      %lt3A_255 = vector.broadcast %lt3A_254 : f32 to vector<16x1xf32>
      %lt3A_256 = arith.cmpf olt, %sub3A_236, %lt3A_255 : vector<16x1xf32>
      %jit3A_257 = arith.constant 3.000000e+01 : f32
      %jit3A_258 = arith.constant 2.300000e+01 : f32
      %broadcast_in_dim3A_259 = vector.broadcast %jit3A_257 : f32 to vector<16x1xf32>
      %broadcast_in_dim3A_260 = vector.broadcast %jit3A_258 : f32 to vector<16x1xf32>
      %select_n3A_261 = arith.select %lt3A_256, %broadcast_in_dim3A_259, %broadcast_in_dim3A_260 : vector<16x1xi1>, vector<16x1xf32>
      %jit3A_262 = arith.constant 1.300000e+01 : f32
      %broadcast_in_dim3A_263 = vector.broadcast %jit3A_262 : f32 to vector<16x1xf32>
      %select_n3A_264 = arith.select %lt3A_253, %broadcast_in_dim3A_263, %select_n3A_261 : vector<16x1xi1>, vector<16x1xf32>
      %eq3A_265 = arith.constant 1.000000e+00 : f32
      %eq3A_266 = vector.broadcast %eq3A_265 : f32 to vector<16x1xf32>
      %eq3A_267 = arith.cmpf oeq, %floor3A_232, %eq3A_266 : vector<16x1xf32>
      %eq3A_268 = arith.constant 3.000000e+00 : f32
      %eq3A_269 = vector.broadcast %eq3A_268 : f32 to vector<16x1xf32>
      %eq3A_270 = arith.cmpf oeq, %floor3A_232, %eq3A_269 : vector<16x1xf32>
      %jit3A_271 = arith.constant -5.000000e-01 : f32
      %jit3A_272 = arith.constant 0.000000e+00 : f32
      %broadcast_in_dim3A_273 = vector.broadcast %jit3A_271 : f32 to vector<16x1xf32>
      %broadcast_in_dim3A_274 = vector.broadcast %jit3A_272 : f32 to vector<16x1xf32>
      %select_n3A_275 = arith.select %eq3A_270, %broadcast_in_dim3A_273, %broadcast_in_dim3A_274 : vector<16x1xi1>, vector<16x1xf32>
      %jit3A_276 = arith.constant 5.000000e-01 : f32
      %broadcast_in_dim3A_277 = vector.broadcast %jit3A_276 : f32 to vector<16x1xf32>
      %select_n3A_278 = arith.select %eq3A_267, %broadcast_in_dim3A_277, %select_n3A_275 : vector<16x1xi1>, vector<16x1xf32>
      %eq3A_279 = arith.constant 2.000000e+00 : f32
      %eq3A_280 = vector.broadcast %eq3A_279 : f32 to vector<16x1xf32>
      %eq3A_281 = arith.cmpf oeq, %floor3A_232, %eq3A_280 : vector<16x1xf32>
      %eq3A_282 = arith.constant 4.000000e+00 : f32
      %eq3A_283 = vector.broadcast %eq3A_282 : f32 to vector<16x1xf32>
      %eq3A_284 = arith.cmpf oeq, %floor3A_232, %eq3A_283 : vector<16x1xf32>
      %jit3A_285 = arith.constant -5.000000e-01 : f32
      %jit3A_286 = arith.constant 0.000000e+00 : f32
      %broadcast_in_dim3A_287 = vector.broadcast %jit3A_285 : f32 to vector<16x1xf32>
      %broadcast_in_dim3A_288 = vector.broadcast %jit3A_286 : f32 to vector<16x1xf32>
      %select_n3A_289 = arith.select %eq3A_284, %broadcast_in_dim3A_287, %broadcast_in_dim3A_288 : vector<16x1xi1>, vector<16x1xf32>
      %jit3A_290 = arith.constant 5.000000e-01 : f32
      %broadcast_in_dim3A_291 = vector.broadcast %jit3A_290 : f32 to vector<16x1xf32>
      %select_n3A_292 = arith.select %eq3A_281, %broadcast_in_dim3A_291, %select_n3A_289 : vector<16x1xi1>, vector<16x1xf32>
      %div3A = vector.broadcast %mul3A_220 : vector<1x20xf32> to vector<16x20xf32>
      %div3A_293 = vector.broadcast %select_n3A_250 : vector<16x1xf32> to vector<16x20xf32>
      %div3A_294 = arith.divf %div3A, %div3A_293 : vector<16x20xf32>
      %div3A_295 = vector.broadcast %mul3A_224 : vector<1x20xf32> to vector<16x20xf32>
      %div3A_296 = vector.broadcast %select_n3A_264 : vector<16x1xf32> to vector<16x20xf32>
      %div3A_297 = arith.divf %div3A_295, %div3A_296 : vector<16x20xf32>
      %div3A_298 = arith.constant 1.000000e+00 : f32
      %div3A_299 = vector.broadcast %div3A_298 : f32 to vector<16x20xf32>
      %div3A_300 = arith.divf %div3A_299, %div3A_294 : vector<16x20xf32>
      %max3A = arith.maximumf %div3A_294, %div3A_300 : vector<16x20xf32>
      %div3A_301 = arith.constant 1.000000e+00 : f32
      %div3A_302 = vector.broadcast %div3A_301 : f32 to vector<16x20xf32>
      %div3A_303 = arith.divf %div3A_302, %div3A_297 : vector<16x20xf32>
      %max3A_304 = arith.maximumf %div3A_297, %div3A_303 : vector<16x20xf32>
      %max3A_305 = arith.maximumf %max3A, %max3A_304 : vector<16x20xf32>
      %lt3A_306 = arith.constant 4.000000e+00 : f32
      %lt3A_307 = vector.broadcast %lt3A_306 : f32 to vector<16x20xf32>
      %lt3A_308 = arith.cmpf olt, %max3A_305, %lt3A_307 : vector<16x20xf32>
      %jit3A_309 = arith.constant 1.000000e+00 : f32
      %jit3A_310 = arith.constant 0.000000e+00 : f32
      %broadcast_in_dim3A_311 = vector.broadcast %jit3A_309 : f32 to vector<16x20xf32>
      %broadcast_in_dim3A_312 = vector.broadcast %jit3A_310 : f32 to vector<16x20xf32>
      %select_n3A_313 = arith.select %lt3A_308, %broadcast_in_dim3A_311, %broadcast_in_dim3A_312 : vector<16x20xi1>, vector<16x20xf32>
      %jit3A_314 = arith.constant 1.000000e+00 : f32
      %rem3A = vector.broadcast %jit3A_314 : f32 to vector<1x20xf32>
      %rem3A_315 = arith.remf %mul3A_212, %rem3A : vector<1x20xf32>
      %ne3A = arith.constant 0.000000e+00 : f32
      %ne3A_316 = vector.broadcast %ne3A : f32 to vector<1x20xf32>
      %ne3A_317 = arith.cmpf one, %rem3A_315, %ne3A_316 : vector<1x20xf32>
      %lt3A_318 = arith.constant 0.000000e+00 : f32
      %lt3A_319 = vector.broadcast %lt3A_318 : f32 to vector<1x20xf32>
      %lt3A_320 = arith.cmpf olt, %rem3A_315, %lt3A_319 : vector<1x20xf32>
      %lt3A_321 = arith.constant 0.000000e+00 : f32
      %lt3A_322 = arith.cmpf olt, %jit3A_314, %lt3A_321 : f32
      %ne3A_323 = vector.broadcast %lt3A_322 : i1 to vector<1x20xi1>
      %ne3A_324 = vector.broadcast %ne3A_323 : vector<1x20xi1> to vector<1x20xi1>
      %ne3A_325 = arith.xori %lt3A_320, %ne3A_324 : vector<1x20xi1>
      %and3A_326 = arith.andi %ne3A_325, %ne3A_317 : vector<1x20xi1>
      %add3A_327 = vector.broadcast %jit3A_314 : f32 to vector<1x20xf32>
      %add3A_328 = arith.addf %rem3A_315, %add3A_327 : vector<1x20xf32>
      %select_n3A_329 = arith.select %and3A_326, %add3A_328, %rem3A_315 : vector<1x20xi1>, vector<1x20xf32>
      %lt3A_330 = arith.constant 5.000000e-01 : f32
      %lt3A_331 = vector.broadcast %lt3A_330 : f32 to vector<1x20xf32>
      %lt3A_332 = arith.cmpf olt, %select_n3A_329, %lt3A_331 : vector<1x20xf32>
      %gt3A = arith.constant 1.000000e+00 : f32
      %gt3A_333 = vector.broadcast %gt3A : f32 to vector<1x20xf32>
      %gt3A_334 = arith.cmpf ogt, %mul3A_212, %gt3A_333 : vector<1x20xf32>
      %and3A_335 = arith.andi %lt3A_332, %gt3A_334 : vector<1x20xi1>
      %jit3A_336 = arith.constant 1.000000e+00 : f32
      %jit3A_337 = arith.constant 0.000000e+00 : f32
      %broadcast_in_dim3A_338 = vector.broadcast %jit3A_336 : f32 to vector<1x20xf32>
      %broadcast_in_dim3A_339 = vector.broadcast %jit3A_337 : f32 to vector<1x20xf32>
      %select_n3A_340 = arith.select %and3A_335, %broadcast_in_dim3A_338, %broadcast_in_dim3A_339 : vector<1x20xi1>, vector<1x20xf32>
      %jit3A_341 = arith.constant 1.000000e+00 : f32
      %rem3A_342 = vector.broadcast %jit3A_341 : f32 to vector<1x20xf32>
      %rem3A_343 = arith.remf %mul3A_216, %rem3A_342 : vector<1x20xf32>
      %ne3A_344 = arith.constant 0.000000e+00 : f32
      %ne3A_345 = vector.broadcast %ne3A_344 : f32 to vector<1x20xf32>
      %ne3A_346 = arith.cmpf one, %rem3A_343, %ne3A_345 : vector<1x20xf32>
      %lt3A_347 = arith.constant 0.000000e+00 : f32
      %lt3A_348 = vector.broadcast %lt3A_347 : f32 to vector<1x20xf32>
      %lt3A_349 = arith.cmpf olt, %rem3A_343, %lt3A_348 : vector<1x20xf32>
      %lt3A_350 = arith.constant 0.000000e+00 : f32
      %lt3A_351 = arith.cmpf olt, %jit3A_341, %lt3A_350 : f32
      %ne3A_352 = vector.broadcast %lt3A_351 : i1 to vector<1x20xi1>
      %ne3A_353 = vector.broadcast %ne3A_352 : vector<1x20xi1> to vector<1x20xi1>
      %ne3A_354 = arith.xori %lt3A_349, %ne3A_353 : vector<1x20xi1>
      %and3A_355 = arith.andi %ne3A_354, %ne3A_346 : vector<1x20xi1>
      %add3A_356 = vector.broadcast %jit3A_341 : f32 to vector<1x20xf32>
      %add3A_357 = arith.addf %rem3A_343, %add3A_356 : vector<1x20xf32>
      %select_n3A_358 = arith.select %and3A_355, %add3A_357, %rem3A_343 : vector<1x20xi1>, vector<1x20xf32>
      %lt3A_359 = arith.constant 5.000000e-01 : f32
      %lt3A_360 = vector.broadcast %lt3A_359 : f32 to vector<1x20xf32>
      %lt3A_361 = arith.cmpf olt, %select_n3A_358, %lt3A_360 : vector<1x20xf32>
      %gt3A_362 = arith.constant 1.000000e+00 : f32
      %gt3A_363 = vector.broadcast %gt3A_362 : f32 to vector<1x20xf32>
      %gt3A_364 = arith.cmpf ogt, %mul3A_216, %gt3A_363 : vector<1x20xf32>
      %and3A_365 = arith.andi %lt3A_361, %gt3A_364 : vector<1x20xi1>
      %jit3A_366 = arith.constant 1.000000e+00 : f32
      %jit3A_367 = arith.constant 0.000000e+00 : f32
      %broadcast_in_dim3A_368 = vector.broadcast %jit3A_366 : f32 to vector<1x20xf32>
      %broadcast_in_dim3A_369 = vector.broadcast %jit3A_367 : f32 to vector<1x20xf32>
      %select_n3A_370 = arith.select %and3A_365, %broadcast_in_dim3A_368, %broadcast_in_dim3A_369 : vector<1x20xi1>, vector<1x20xf32>
      %sub3A_371 = arith.constant 6.400000e+01 : f32
      %sub3A_372 = vector.broadcast %sub3A_371 : f32 to vector<1x20xf32>
      %sub3A_373 = arith.subf %sub3A_372, %mul3A_212 : vector<1x20xf32>
      %jit3A_374 = arith.constant 1.000000e+00 : f32
      %rem3A_375 = vector.broadcast %jit3A_374 : f32 to vector<1x20xf32>
      %rem3A_376 = arith.remf %sub3A_373, %rem3A_375 : vector<1x20xf32>
      %ne3A_377 = arith.constant 0.000000e+00 : f32
      %ne3A_378 = vector.broadcast %ne3A_377 : f32 to vector<1x20xf32>
      %ne3A_379 = arith.cmpf one, %rem3A_376, %ne3A_378 : vector<1x20xf32>
      %lt3A_380 = arith.constant 0.000000e+00 : f32
      %lt3A_381 = vector.broadcast %lt3A_380 : f32 to vector<1x20xf32>
      %lt3A_382 = arith.cmpf olt, %rem3A_376, %lt3A_381 : vector<1x20xf32>
      %lt3A_383 = arith.constant 0.000000e+00 : f32
      %lt3A_384 = arith.cmpf olt, %jit3A_374, %lt3A_383 : f32
      %ne3A_385 = vector.broadcast %lt3A_384 : i1 to vector<1x20xi1>
      %ne3A_386 = vector.broadcast %ne3A_385 : vector<1x20xi1> to vector<1x20xi1>
      %ne3A_387 = arith.xori %lt3A_382, %ne3A_386 : vector<1x20xi1>
      %and3A_388 = arith.andi %ne3A_387, %ne3A_379 : vector<1x20xi1>
      %add3A_389 = vector.broadcast %jit3A_374 : f32 to vector<1x20xf32>
      %add3A_390 = arith.addf %rem3A_376, %add3A_389 : vector<1x20xf32>
      %select_n3A_391 = arith.select %and3A_388, %add3A_390, %rem3A_376 : vector<1x20xi1>, vector<1x20xf32>
      %lt3A_392 = arith.constant 5.000000e-01 : f32
      %lt3A_393 = vector.broadcast %lt3A_392 : f32 to vector<1x20xf32>
      %lt3A_394 = arith.cmpf olt, %select_n3A_391, %lt3A_393 : vector<1x20xf32>
      %gt3A_395 = arith.constant 1.000000e+00 : f32
      %gt3A_396 = vector.broadcast %gt3A_395 : f32 to vector<1x20xf32>
      %gt3A_397 = arith.cmpf ogt, %sub3A_373, %gt3A_396 : vector<1x20xf32>
      %and3A_398 = arith.andi %lt3A_394, %gt3A_397 : vector<1x20xi1>
      %jit3A_399 = arith.constant 1.000000e+00 : f32
      %jit3A_400 = arith.constant 0.000000e+00 : f32
      %broadcast_in_dim3A_401 = vector.broadcast %jit3A_399 : f32 to vector<1x20xf32>
      %broadcast_in_dim3A_402 = vector.broadcast %jit3A_400 : f32 to vector<1x20xf32>
      %select_n3A_403 = arith.select %and3A_398, %broadcast_in_dim3A_401, %broadcast_in_dim3A_402 : vector<1x20xi1>, vector<1x20xf32>
      %sub3A_404 = arith.constant 6.400000e+01 : f32
      %sub3A_405 = vector.broadcast %sub3A_404 : f32 to vector<1x20xf32>
      %sub3A_406 = arith.subf %sub3A_405, %mul3A_216 : vector<1x20xf32>
      %jit3A_407 = arith.constant 1.000000e+00 : f32
      %rem3A_408 = vector.broadcast %jit3A_407 : f32 to vector<1x20xf32>
      %rem3A_409 = arith.remf %sub3A_406, %rem3A_408 : vector<1x20xf32>
      %ne3A_410 = arith.constant 0.000000e+00 : f32
      %ne3A_411 = vector.broadcast %ne3A_410 : f32 to vector<1x20xf32>
      %ne3A_412 = arith.cmpf one, %rem3A_409, %ne3A_411 : vector<1x20xf32>
      %lt3A_413 = arith.constant 0.000000e+00 : f32
      %lt3A_414 = vector.broadcast %lt3A_413 : f32 to vector<1x20xf32>
      %lt3A_415 = arith.cmpf olt, %rem3A_409, %lt3A_414 : vector<1x20xf32>
      %lt3A_416 = arith.constant 0.000000e+00 : f32
      %lt3A_417 = arith.cmpf olt, %jit3A_407, %lt3A_416 : f32
      %ne3A_418 = vector.broadcast %lt3A_417 : i1 to vector<1x20xi1>
      %ne3A_419 = vector.broadcast %ne3A_418 : vector<1x20xi1> to vector<1x20xi1>
      %ne3A_420 = arith.xori %lt3A_415, %ne3A_419 : vector<1x20xi1>
      %and3A_421 = arith.andi %ne3A_420, %ne3A_412 : vector<1x20xi1>
      %add3A_422 = vector.broadcast %jit3A_407 : f32 to vector<1x20xf32>
      %add3A_423 = arith.addf %rem3A_409, %add3A_422 : vector<1x20xf32>
      %select_n3A_424 = arith.select %and3A_421, %add3A_423, %rem3A_409 : vector<1x20xi1>, vector<1x20xf32>
      %lt3A_425 = arith.constant 5.000000e-01 : f32
      %lt3A_426 = vector.broadcast %lt3A_425 : f32 to vector<1x20xf32>
      %lt3A_427 = arith.cmpf olt, %select_n3A_424, %lt3A_426 : vector<1x20xf32>
      %gt3A_428 = arith.constant 1.000000e+00 : f32
      %gt3A_429 = vector.broadcast %gt3A_428 : f32 to vector<1x20xf32>
      %gt3A_430 = arith.cmpf ogt, %sub3A_406, %gt3A_429 : vector<1x20xf32>
      %and3A_431 = arith.andi %lt3A_427, %gt3A_430 : vector<1x20xi1>
      %jit3A_432 = arith.constant 1.000000e+00 : f32
      %jit3A_433 = arith.constant 0.000000e+00 : f32
      %broadcast_in_dim3A_434 = vector.broadcast %jit3A_432 : f32 to vector<1x20xf32>
      %broadcast_in_dim3A_435 = vector.broadcast %jit3A_433 : f32 to vector<1x20xf32>
      %select_n3A_436 = arith.select %and3A_431, %broadcast_in_dim3A_434, %broadcast_in_dim3A_435 : vector<1x20xi1>, vector<1x20xf32>
      %broadcast_in_dim3A_437 = arith.constant 1.000000e+00 : f32
      %broadcast_in_dim3A_438 = vector.broadcast %broadcast_in_dim3A_437 : f32 to vector<1x20xf32>
      %eq3A_439 = arith.constant 0.000000e+00 : f32
      %eq3A_440 = vector.broadcast %eq3A_439 : f32 to vector<16x1xf32>
      %eq3A_441 = arith.cmpf oeq, %floor3A_232, %eq3A_440 : vector<16x1xf32>
      %eq3A_442 = arith.constant 1.000000e+00 : f32
      %eq3A_443 = vector.broadcast %eq3A_442 : f32 to vector<16x1xf32>
      %eq3A_444 = arith.cmpf oeq, %floor3A_232, %eq3A_443 : vector<16x1xf32>
      %eq3A_445 = arith.constant 2.000000e+00 : f32
      %eq3A_446 = vector.broadcast %eq3A_445 : f32 to vector<16x1xf32>
      %eq3A_447 = arith.cmpf oeq, %floor3A_232, %eq3A_446 : vector<16x1xf32>
      %eq3A_448 = arith.constant 3.000000e+00 : f32
      %eq3A_449 = vector.broadcast %eq3A_448 : f32 to vector<16x1xf32>
      %eq3A_450 = arith.cmpf oeq, %floor3A_232, %eq3A_449 : vector<16x1xf32>
      %broadcast_in_dim3A_451 = vector.shape_cast %eq3A_450 : vector<16x1xi1> to vector<16x1xi1>
      %broadcast_in_dim3A_452 = vector.broadcast %broadcast_in_dim3A_451 : vector<16x1xi1> to vector<16x20xi1>
      %broadcast_in_dim3A_453 = vector.shape_cast %select_n3A_403 : vector<1x20xf32> to vector<1x20xf32>
      %broadcast_in_dim3A_454 = vector.broadcast %broadcast_in_dim3A_453 : vector<1x20xf32> to vector<16x20xf32>
      %broadcast_in_dim3A_455 = vector.shape_cast %select_n3A_436 : vector<1x20xf32> to vector<1x20xf32>
      %broadcast_in_dim3A_456 = vector.broadcast %broadcast_in_dim3A_455 : vector<1x20xf32> to vector<16x20xf32>
      %select_n3A_457 = arith.select %broadcast_in_dim3A_452, %broadcast_in_dim3A_454, %broadcast_in_dim3A_456 : vector<16x20xi1>, vector<16x20xf32>
      %broadcast_in_dim3A_458 = vector.shape_cast %eq3A_447 : vector<16x1xi1> to vector<16x1xi1>
      %broadcast_in_dim3A_459 = vector.broadcast %broadcast_in_dim3A_458 : vector<16x1xi1> to vector<16x20xi1>
      %broadcast_in_dim3A_460 = vector.shape_cast %select_n3A_370 : vector<1x20xf32> to vector<1x20xf32>
      %broadcast_in_dim3A_461 = vector.broadcast %broadcast_in_dim3A_460 : vector<1x20xf32> to vector<16x20xf32>
      %select_n3A_462 = arith.select %broadcast_in_dim3A_459, %broadcast_in_dim3A_461, %select_n3A_457 : vector<16x20xi1>, vector<16x20xf32>
      %broadcast_in_dim3A_463 = vector.shape_cast %eq3A_444 : vector<16x1xi1> to vector<16x1xi1>
      %broadcast_in_dim3A_464 = vector.broadcast %broadcast_in_dim3A_463 : vector<16x1xi1> to vector<16x20xi1>
      %broadcast_in_dim3A_465 = vector.shape_cast %select_n3A_340 : vector<1x20xf32> to vector<1x20xf32>
      %broadcast_in_dim3A_466 = vector.broadcast %broadcast_in_dim3A_465 : vector<1x20xf32> to vector<16x20xf32>
      %select_n3A_467 = arith.select %broadcast_in_dim3A_464, %broadcast_in_dim3A_466, %select_n3A_462 : vector<16x20xi1>, vector<16x20xf32>
      %broadcast_in_dim3A_468 = vector.shape_cast %eq3A_441 : vector<16x1xi1> to vector<16x1xi1>
      %broadcast_in_dim3A_469 = vector.broadcast %broadcast_in_dim3A_468 : vector<16x1xi1> to vector<16x20xi1>
      %broadcast_in_dim3A_470 = vector.shape_cast %broadcast_in_dim3A_438 : vector<1x20xf32> to vector<1x20xf32>
      %broadcast_in_dim3A_471 = vector.broadcast %broadcast_in_dim3A_470 : vector<1x20xf32> to vector<16x20xf32>
      %select_n3A_472 = arith.select %broadcast_in_dim3A_469, %broadcast_in_dim3A_471, %select_n3A_467 : vector<16x20xi1>, vector<16x20xf32>
      %mul3A_473 = arith.mulf %select_n3A_472, %select_n3A_313 : vector<16x20xf32>
      %lt3A_474 = arith.constant 1.450000e+01 : f32
      %lt3A_475 = vector.broadcast %lt3A_474 : f32 to vector<16x1xf32>
      %lt3A_476 = arith.cmpf olt, %convert_element_type3A_226, %lt3A_475 : vector<16x1xf32>
      %jit3A_477 = arith.constant 1.000000e+00 : f32
      %jit3A_478 = arith.constant 0.000000e+00 : f32
      %broadcast_in_dim3A_479 = vector.broadcast %jit3A_477 : f32 to vector<16x1xf32>
      %broadcast_in_dim3A_480 = vector.broadcast %jit3A_478 : f32 to vector<16x1xf32>
      %select_n3A_481 = arith.select %lt3A_476, %broadcast_in_dim3A_479, %broadcast_in_dim3A_480 : vector<16x1xi1>, vector<16x1xf32>
      %mul3A_482 = vector.broadcast %select_n3A_481 : vector<16x1xf32> to vector<16x20xf32>
      %mul3A_483 = arith.mulf %mul3A_473, %mul3A_482 : vector<16x20xf32>
      %sub3A_484 = vector.broadcast %mul3A_212 : vector<1x20xf32> to vector<16x20xf32>
      %sub3A_485 = vector.broadcast %select_n3A_278 : vector<16x1xf32> to vector<16x20xf32>
      %sub3A_486 = arith.subf %sub3A_484, %sub3A_485 : vector<16x20xf32>
      %floor3A_487 = math.floor %sub3A_486 : vector<16x20xf32>
      %sub3A_488 = vector.broadcast %mul3A_216 : vector<1x20xf32> to vector<16x20xf32>
      %sub3A_489 = vector.broadcast %select_n3A_292 : vector<16x1xf32> to vector<16x20xf32>
      %sub3A_490 = arith.subf %sub3A_488, %sub3A_489 : vector<16x20xf32>
      %floor3A_491 = math.floor %sub3A_490 : vector<16x20xf32>
      %jit3A_492 = arith.constant 0.000000e+00 : f32
      %jit3A_493 = arith.constant 6.300000e+01 : f32
      %max3A_494 = vector.broadcast %jit3A_492 : f32 to vector<16x20xf32>
      %max3A_495 = arith.maximumf %max3A_494, %floor3A_487 : vector<16x20xf32>
      %min3A_496 = vector.broadcast %jit3A_493 : f32 to vector<16x20xf32>
      %min3A_497 = arith.minimumf %min3A_496, %max3A_495 : vector<16x20xf32>
      %jit3A_498 = arith.constant 0.000000e+00 : f32
      %jit3A_499 = arith.constant 6.300000e+01 : f32
      %max3A_500 = vector.broadcast %jit3A_498 : f32 to vector<16x20xf32>
      %max3A_501 = arith.maximumf %max3A_500, %floor3A_491 : vector<16x20xf32>
      %min3A_502 = vector.broadcast %jit3A_499 : f32 to vector<16x20xf32>
      %min3A_503 = arith.minimumf %min3A_502, %max3A_501 : vector<16x20xf32>
      %sub3A_504 = vector.broadcast %mul3A_212 : vector<1x20xf32> to vector<16x20xf32>
      %sub3A_505 = arith.subf %sub3A_504, %floor3A_487 : vector<16x20xf32>
      %sub3A_506 = vector.broadcast %mul3A_216 : vector<1x20xf32> to vector<16x20xf32>
      %sub3A_507 = arith.subf %sub3A_506, %floor3A_491 : vector<16x20xf32>
      %mul3A_508 = arith.constant 4.096000e+03 : f32
      %mul3A_509 = vector.broadcast %mul3A_508 : f32 to vector<16x1xf32>
      %mul3A_510 = arith.mulf %sub3A_236, %mul3A_509 : vector<16x1xf32>
      %mul3A_511 = arith.constant 6.400000e+01 : f32
      %mul3A_512 = vector.broadcast %mul3A_511 : f32 to vector<16x20xf32>
      %mul3A_513 = arith.mulf %min3A_503, %mul3A_512 : vector<16x20xf32>
      %add3A_514 = vector.broadcast %mul3A_510 : vector<16x1xf32> to vector<16x20xf32>
      %add3A_515 = arith.addf %add3A_514, %mul3A_513 : vector<16x20xf32>
      %add3A_516 = arith.addf %add3A_515, %min3A_497 : vector<16x20xf32>
      %mul3A_517 = arith.constant 4.000000e+00 : f32
      %mul3A_518 = vector.broadcast %mul3A_517 : f32 to vector<1x20xf32>
      %mul3A_519 = arith.mulf %mul3A_518, %mul3A_220 : vector<1x20xf32>
      %mul3A_520 = arith.mulf %mul3A_519, %mul3A_224 : vector<1x20xf32>
      %div3A_521 = arith.constant 1.000000e+00 : f32
      %div3A_522 = vector.broadcast %div3A_521 : f32 to vector<1x20xf32>
      %div3A_523 = arith.divf %div3A_522, %mul3A_520 : vector<1x20xf32>
      %iota3A_524 = tpu.iota {dimensions = array<i32: 1>} : vector<1x16xi32>
      %convert_element_type3A_525 = arith.sitofp %iota3A_524 : vector<1x16xi32> to vector<1x16xf32>
      %eq3A_526 = vector.broadcast %floor3A : vector<320x1xf32> to vector<320x16xf32>
      %eq3A_527 = vector.broadcast %convert_element_type3A_525 : vector<1x16xf32> to vector<320x16xf32>
      %eq3A_528 = arith.cmpf oeq, %eq3A_526, %eq3A_527 : vector<320x16xf32>
      %convert_element_type3A_529 = arith.extui %eq3A_528 : vector<320x16xi1> to vector<320x16xi32>
      %convert_element_type3A_530 = arith.sitofp %convert_element_type3A_529 : vector<320x16xi32> to vector<320x16xf32>
      %dot_general3A_531 = arith.constant dense<0.000000e+00> : vector<320x20xf32>
      %dot_general3A_532 = tpu.matmul %convert_element_type3A_530, %mul3A_483, %dot_general3A_531 {dimension_numbers = #tpu.dot_dimension_numbers<[1], [0], [0], [1], [0, 0, 1, 1], [], []>, transpose_lhs_hint = false} : vector<320x16xf32>, vector<16x20xf32>, vector<320x20xf32> -> vector<320x20xf32>
      %mul3A_533 = arith.mulf %dot_general3A_532, %convert_element_type3A_32 : vector<320x20xf32>
      %reduce_sum3A_534 = arith.constant dense<0.000000e+00> : vector<320xf32>
      %reduce_sum3A_535 = vector.multi_reduction <add>, %mul3A_533, %reduce_sum3A_534 [1] : vector<320x20xf32> to vector<320xf32>
      %broadcast_in_dim3A_536 = vector.shape_cast %reduce_sum3A_535 : vector<320xf32> to vector<320x1xf32>
      %swap3A_537 = arith.constant 0 : index
      %swap3A_538 = arith.constant 0 : index
      %swap3A_539 = vector.load %arg12[%swap3A_537, %swap3A_538] : memref<320x2xf32, #tpu.memory_space<vmem>>, vector<320x1xf32>
      tpu.vector_store %arg12[%swap3A_537, %swap3A_538], %broadcast_in_dim3A_536 {strides = array<i32>} : memref<320x2xf32, #tpu.memory_space<vmem>>, vector<320x1xf32>,
      %broadcast_in_dim3A_540 = vector.shape_cast %div3A_523 : vector<1x20xf32> to vector<1x20xf32>
      %broadcast_in_dim3A_541 = vector.broadcast %broadcast_in_dim3A_540 : vector<1x20xf32> to vector<16x20xf32>
      %dot_general3A_542 = arith.constant dense<0.000000e+00> : vector<320x20xf32>
      %dot_general3A_543 = tpu.matmul %convert_element_type3A_530, %broadcast_in_dim3A_541, %dot_general3A_542 {dimension_numbers = #tpu.dot_dimension_numbers<[1], [0], [0], [1], [0, 0, 1, 1], [], []>, transpose_lhs_hint = false} : vector<320x16xf32>, vector<16x20xf32>, vector<320x20xf32> -> vector<320x20xf32>
      %mul3A_544 = arith.mulf %dot_general3A_543, %convert_element_type3A_32 : vector<320x20xf32>
      %reduce_sum3A_545 = arith.constant dense<0.000000e+00> : vector<320xf32>
      %reduce_sum3A_546 = vector.multi_reduction <add>, %mul3A_544, %reduce_sum3A_545 [1] : vector<320x20xf32> to vector<320xf32>
      %broadcast_in_dim3A_547 = vector.shape_cast %reduce_sum3A_546 : vector<320xf32> to vector<320x1xf32>
      %mul3A_548 = arith.mulf %broadcast_in_dim3A_547, %broadcast_in_dim3A_536 : vector<320x1xf32>
      %swap3A_549 = arith.constant 0 : index
      %swap3A_550 = arith.constant 1 : index
      %swap3A_551 = vector.load %arg12[%swap3A_549, %swap3A_550] : memref<320x2xf32, #tpu.memory_space<vmem>>, vector<320x1xf32>
      tpu.vector_store %arg12[%swap3A_549, %swap3A_550], %mul3A_548 {strides = array<i32>} : memref<320x2xf32, #tpu.memory_space<vmem>>, vector<320x1xf32>,
      %slice3A_552 = vector.extract_strided_slice %get3A_19 {offsets = [0, 0], sizes = [320, 1], strides = [1, 1]} : vector<320x60xf32> to vector<320x1xf32>
      %neg3A = arith.constant 0.000000e+00 : f32
      %neg3A_553 = vector.broadcast %neg3A : f32 to vector<320x1xf32>
      %neg3A_554 = arith.subf %neg3A_553, %slice3A_552 : vector<320x1xf32>
      %exp3A_555 = math.exp %neg3A_554 : vector<320x1xf32>
      %add3A_556 = arith.constant 1.000000e+00 : f32
      %add3A_557 = vector.broadcast %add3A_556 : f32 to vector<320x1xf32>
      %add3A_558 = arith.addf %add3A_557, %exp3A_555 : vector<320x1xf32>
      %div3A_559 = arith.constant 1.000000e+00 : f32
      %div3A_560 = vector.broadcast %div3A_559 : f32 to vector<320x1xf32>
      %div3A_561 = arith.divf %div3A_560, %add3A_558 : vector<320x1xf32>
      %mul3A_562 = arith.constant 2.000000e+00 : f32
      %mul3A_563 = vector.broadcast %mul3A_562 : f32 to vector<320x1xf32>
      %mul3A_564 = arith.mulf %div3A_561, %mul3A_563 : vector<320x1xf32>
      %sub3A_565 = arith.constant 5.000000e-01 : f32
      %sub3A_566 = vector.broadcast %sub3A_565 : f32 to vector<320x1xf32>
      %sub3A_567 = arith.subf %mul3A_564, %sub3A_566 : vector<320x1xf32>
      %slice3A_568 = vector.extract_strided_slice %get3A_19 {offsets = [0, 1], sizes = [320, 1], strides = [1, 1]} : vector<320x60xf32> to vector<320x1xf32>
      %neg3A_569 = arith.constant 0.000000e+00 : f32
      %neg3A_570 = vector.broadcast %neg3A_569 : f32 to vector<320x1xf32>
      %neg3A_571 = arith.subf %neg3A_570, %slice3A_568 : vector<320x1xf32>
      %exp3A_572 = math.exp %neg3A_571 : vector<320x1xf32>
      %add3A_573 = arith.constant 1.000000e+00 : f32
      %add3A_574 = vector.broadcast %add3A_573 : f32 to vector<320x1xf32>
      %add3A_575 = arith.addf %add3A_574, %exp3A_572 : vector<320x1xf32>
      %div3A_576 = arith.constant 1.000000e+00 : f32
      %div3A_577 = vector.broadcast %div3A_576 : f32 to vector<320x1xf32>
      %div3A_578 = arith.divf %div3A_577, %add3A_575 : vector<320x1xf32>
      %mul3A_579 = arith.constant 2.000000e+00 : f32
      %mul3A_580 = vector.broadcast %mul3A_579 : f32 to vector<320x1xf32>
      %mul3A_581 = arith.mulf %div3A_578, %mul3A_580 : vector<320x1xf32>
      %sub3A_582 = arith.constant 5.000000e-01 : f32
      %sub3A_583 = vector.broadcast %sub3A_582 : f32 to vector<320x1xf32>
      %sub3A_584 = arith.subf %mul3A_581, %sub3A_583 : vector<320x1xf32>
      %broadcast_in_dim3A_585 = vector.shape_cast %select_n3A_250 : vector<16x1xf32> to vector<16x1xf32>
      %broadcast_in_dim3A_586 = vector.broadcast %broadcast_in_dim3A_585 : vector<16x1xf32> to vector<16x20xf32>
      %dot_general3A_587 = arith.constant dense<0.000000e+00> : vector<320x20xf32>
      %dot_general3A_588 = tpu.matmul %convert_element_type3A_530, %broadcast_in_dim3A_586, %dot_general3A_587 {dimension_numbers = #tpu.dot_dimension_numbers<[1], [0], [0], [1], [0, 0, 1, 1], [], []>, transpose_lhs_hint = false} : vector<320x16xf32>, vector<16x20xf32>, vector<320x20xf32> -> vector<320x20xf32>
      %mul3A_589 = arith.mulf %dot_general3A_588, %convert_element_type3A_32 : vector<320x20xf32>
      %reduce_sum3A_590 = arith.constant dense<0.000000e+00> : vector<320xf32>
      %reduce_sum3A_591 = vector.multi_reduction <add>, %mul3A_589, %reduce_sum3A_590 [1] : vector<320x20xf32> to vector<320xf32>
      %broadcast_in_dim3A_592 = vector.shape_cast %reduce_sum3A_591 : vector<320xf32> to vector<320x1xf32>
      %broadcast_in_dim3A_593 = vector.shape_cast %select_n3A_264 : vector<16x1xf32> to vector<16x1xf32>
      %broadcast_in_dim3A_594 = vector.broadcast %broadcast_in_dim3A_593 : vector<16x1xf32> to vector<16x20xf32>
      %dot_general3A_595 = arith.constant dense<0.000000e+00> : vector<320x20xf32>
      %dot_general3A_596 = tpu.matmul %convert_element_type3A_530, %broadcast_in_dim3A_594, %dot_general3A_595 {dimension_numbers = #tpu.dot_dimension_numbers<[1], [0], [0], [1], [0, 0, 1, 1], [], []>, transpose_lhs_hint = false} : vector<320x16xf32>, vector<16x20xf32>, vector<320x20xf32> -> vector<320x20xf32>
      %mul3A_597 = arith.mulf %dot_general3A_596, %convert_element_type3A_32 : vector<320x20xf32>
      %reduce_sum3A_598 = arith.constant dense<0.000000e+00> : vector<320xf32>
      %reduce_sum3A_599 = vector.multi_reduction <add>, %mul3A_597, %reduce_sum3A_598 [1] : vector<320x20xf32> to vector<320xf32>
      %broadcast_in_dim3A_600 = vector.shape_cast %reduce_sum3A_599 : vector<320xf32> to vector<320x1xf32>
      %slice3A_601 = vector.extract_strided_slice %get3A_19 {offsets = [0, 2], sizes = [320, 1], strides = [1, 1]} : vector<320x60xf32> to vector<320x1xf32>
      %neg3A_602 = arith.constant 0.000000e+00 : f32
      %neg3A_603 = vector.broadcast %neg3A_602 : f32 to vector<320x1xf32>
      %neg3A_604 = arith.subf %neg3A_603, %slice3A_601 : vector<320x1xf32>
      %exp3A_605 = math.exp %neg3A_604 : vector<320x1xf32>
      %add3A_606 = arith.constant 1.000000e+00 : f32
      %add3A_607 = vector.broadcast %add3A_606 : f32 to vector<320x1xf32>
      %add3A_608 = arith.addf %add3A_607, %exp3A_605 : vector<320x1xf32>
      %div3A_609 = arith.constant 1.000000e+00 : f32
      %div3A_610 = vector.broadcast %div3A_609 : f32 to vector<320x1xf32>
      %div3A_611 = arith.divf %div3A_610, %add3A_608 : vector<320x1xf32>
      %mul3A_612 = arith.constant 2.000000e+00 : f32
      %mul3A_613 = vector.broadcast %mul3A_612 : f32 to vector<320x1xf32>
      %mul3A_614 = arith.mulf %div3A_611, %mul3A_613 : vector<320x1xf32>
      %integer_pow3A = arith.mulf %mul3A_614, %mul3A_614 : vector<320x1xf32>
      %mul3A_615 = arith.mulf %integer_pow3A, %broadcast_in_dim3A_592 : vector<320x1xf32>
      %slice3A_616 = vector.extract_strided_slice %get3A_19 {offsets = [0, 3], sizes = [320, 1], strides = [1, 1]} : vector<320x60xf32> to vector<320x1xf32>
      %neg3A_617 = arith.constant 0.000000e+00 : f32
      %neg3A_618 = vector.broadcast %neg3A_617 : f32 to vector<320x1xf32>
      %neg3A_619 = arith.subf %neg3A_618, %slice3A_616 : vector<320x1xf32>
      %exp3A_620 = math.exp %neg3A_619 : vector<320x1xf32>
      %add3A_621 = arith.constant 1.000000e+00 : f32
      %add3A_622 = vector.broadcast %add3A_621 : f32 to vector<320x1xf32>
      %add3A_623 = arith.addf %add3A_622, %exp3A_620 : vector<320x1xf32>
      %div3A_624 = arith.constant 1.000000e+00 : f32
      %div3A_625 = vector.broadcast %div3A_624 : f32 to vector<320x1xf32>
      %div3A_626 = arith.divf %div3A_625, %add3A_623 : vector<320x1xf32>
      %mul3A_627 = arith.constant 2.000000e+00 : f32
      %mul3A_628 = vector.broadcast %mul3A_627 : f32 to vector<320x1xf32>
      %mul3A_629 = arith.mulf %div3A_626, %mul3A_628 : vector<320x1xf32>
      %integer_pow3A_630 = arith.mulf %mul3A_629, %mul3A_629 : vector<320x1xf32>
      %mul3A_631 = arith.mulf %integer_pow3A_630, %broadcast_in_dim3A_600 : vector<320x1xf32>
      %dot_general3A_632 = arith.constant dense<0.000000e+00> : vector<320x20xf32>
      %dot_general3A_633 = tpu.matmul %convert_element_type3A_530, %sub3A_505, %dot_general3A_632 {dimension_numbers = #tpu.dot_dimension_numbers<[1], [0], [0], [1], [0, 0, 1, 1], [], []>, transpose_lhs_hint = false} : vector<320x16xf32>, vector<16x20xf32>, vector<320x20xf32> -> vector<320x20xf32>
      %mul3A_634 = arith.mulf %dot_general3A_633, %convert_element_type3A_32 : vector<320x20xf32>
      %reduce_sum3A_635 = arith.constant dense<0.000000e+00> : vector<320xf32>
      %reduce_sum3A_636 = vector.multi_reduction <add>, %mul3A_634, %reduce_sum3A_635 [1] : vector<320x20xf32> to vector<320xf32>
      %broadcast_in_dim3A_637 = vector.shape_cast %reduce_sum3A_636 : vector<320xf32> to vector<320x1xf32>
      %dot_general3A_638 = arith.constant dense<0.000000e+00> : vector<320x20xf32>
      %dot_general3A_639 = tpu.matmul %convert_element_type3A_530, %sub3A_507, %dot_general3A_638 {dimension_numbers = #tpu.dot_dimension_numbers<[1], [0], [0], [1], [0, 0, 1, 1], [], []>, transpose_lhs_hint = false} : vector<320x16xf32>, vector<16x20xf32>, vector<320x20xf32> -> vector<320x20xf32>
      %mul3A_640 = arith.mulf %dot_general3A_639, %convert_element_type3A_32 : vector<320x20xf32>
      %reduce_sum3A_641 = arith.constant dense<0.000000e+00> : vector<320xf32>
      %reduce_sum3A_642 = vector.multi_reduction <add>, %mul3A_640, %reduce_sum3A_641 [1] : vector<320x20xf32> to vector<320xf32>
      %broadcast_in_dim3A_643 = vector.shape_cast %reduce_sum3A_642 : vector<320xf32> to vector<320x1xf32>
      %broadcast_in_dim3A_644 = vector.shape_cast %mul3A_220 : vector<1x20xf32> to vector<1x20xf32>
      %broadcast_in_dim3A_645 = vector.broadcast %broadcast_in_dim3A_644 : vector<1x20xf32> to vector<16x20xf32>
      %dot_general3A_646 = arith.constant dense<0.000000e+00> : vector<320x20xf32>
      %dot_general3A_647 = tpu.matmul %convert_element_type3A_530, %broadcast_in_dim3A_645, %dot_general3A_646 {dimension_numbers = #tpu.dot_dimension_numbers<[1], [0], [0], [1], [0, 0, 1, 1], [], []>, transpose_lhs_hint = false} : vector<320x16xf32>, vector<16x20xf32>, vector<320x20xf32> -> vector<320x20xf32>
      %mul3A_648 = arith.mulf %dot_general3A_647, %convert_element_type3A_32 : vector<320x20xf32>
      %reduce_sum3A_649 = arith.constant dense<0.000000e+00> : vector<320xf32>
      %reduce_sum3A_650 = vector.multi_reduction <add>, %mul3A_648, %reduce_sum3A_649 [1] : vector<320x20xf32> to vector<320xf32>
      %broadcast_in_dim3A_651 = vector.shape_cast %reduce_sum3A_650 : vector<320xf32> to vector<320x1xf32>
      %broadcast_in_dim3A_652 = vector.shape_cast %mul3A_224 : vector<1x20xf32> to vector<1x20xf32>
      %broadcast_in_dim3A_653 = vector.broadcast %broadcast_in_dim3A_652 : vector<1x20xf32> to vector<16x20xf32>
      %dot_general3A_654 = arith.constant dense<0.000000e+00> : vector<320x20xf32>
      %dot_general3A_655 = tpu.matmul %convert_element_type3A_530, %broadcast_in_dim3A_653, %dot_general3A_654 {dimension_numbers = #tpu.dot_dimension_numbers<[1], [0], [0], [1], [0, 0, 1, 1], [], []>, transpose_lhs_hint = false} : vector<320x16xf32>, vector<16x20xf32>, vector<320x20xf32> -> vector<320x20xf32>
      %mul3A_656 = arith.mulf %dot_general3A_655, %convert_element_type3A_32 : vector<320x20xf32>
      %reduce_sum3A_657 = arith.constant dense<0.000000e+00> : vector<320xf32>
      %reduce_sum3A_658 = vector.multi_reduction <add>, %mul3A_656, %reduce_sum3A_657 [1] : vector<320x20xf32> to vector<320xf32>
      %broadcast_in_dim3A_659 = vector.shape_cast %reduce_sum3A_658 : vector<320xf32> to vector<320x1xf32>
      %mul3A_660 = arith.constant 5.000000e-01 : f32
      %mul3A_661 = vector.broadcast %mul3A_660 : f32 to vector<320x1xf32>
      %mul3A_662 = arith.mulf %mul3A_615, %mul3A_661 : vector<320x1xf32>
      %sub3A_663 = arith.subf %sub3A_567, %mul3A_662 : vector<320x1xf32>
      %mul3A_664 = arith.constant 5.000000e-01 : f32
      %mul3A_665 = vector.broadcast %mul3A_664 : f32 to vector<320x1xf32>
      %mul3A_666 = arith.mulf %mul3A_615, %mul3A_665 : vector<320x1xf32>
      %add3A_667 = arith.addf %sub3A_567, %mul3A_666 : vector<320x1xf32>
      %mul3A_668 = arith.constant 5.000000e-01 : f32
      %mul3A_669 = vector.broadcast %mul3A_668 : f32 to vector<320x1xf32>
      %mul3A_670 = arith.mulf %mul3A_631, %mul3A_669 : vector<320x1xf32>
      %sub3A_671 = arith.subf %sub3A_584, %mul3A_670 : vector<320x1xf32>
      %mul3A_672 = arith.constant 5.000000e-01 : f32
      %mul3A_673 = vector.broadcast %mul3A_672 : f32 to vector<320x1xf32>
      %mul3A_674 = arith.mulf %mul3A_631, %mul3A_673 : vector<320x1xf32>
      %add3A_675 = arith.addf %sub3A_584, %mul3A_674 : vector<320x1xf32>
      %mul3A_676 = arith.constant 5.000000e-01 : f32
      %mul3A_677 = vector.broadcast %mul3A_676 : f32 to vector<320x1xf32>
      %mul3A_678 = arith.mulf %broadcast_in_dim3A_651, %mul3A_677 : vector<320x1xf32>
      %sub3A_679 = arith.subf %broadcast_in_dim3A_637, %mul3A_678 : vector<320x1xf32>
      %mul3A_680 = arith.constant 5.000000e-01 : f32
      %mul3A_681 = vector.broadcast %mul3A_680 : f32 to vector<320x1xf32>
      %mul3A_682 = arith.mulf %broadcast_in_dim3A_651, %mul3A_681 : vector<320x1xf32>
      %add3A_683 = arith.addf %broadcast_in_dim3A_637, %mul3A_682 : vector<320x1xf32>
      %mul3A_684 = arith.constant 5.000000e-01 : f32
      %mul3A_685 = vector.broadcast %mul3A_684 : f32 to vector<320x1xf32>
      %mul3A_686 = arith.mulf %broadcast_in_dim3A_659, %mul3A_685 : vector<320x1xf32>
      %sub3A_687 = arith.subf %broadcast_in_dim3A_643, %mul3A_686 : vector<320x1xf32>
      %mul3A_688 = arith.constant 5.000000e-01 : f32
      %mul3A_689 = vector.broadcast %mul3A_688 : f32 to vector<320x1xf32>
      %mul3A_690 = arith.mulf %broadcast_in_dim3A_659, %mul3A_689 : vector<320x1xf32>
      %add3A_691 = arith.addf %broadcast_in_dim3A_643, %mul3A_690 : vector<320x1xf32>
      %min3A_692 = arith.minimumf %add3A_667, %add3A_683 : vector<320x1xf32>
      %max3A_693 = arith.maximumf %sub3A_663, %sub3A_679 : vector<320x1xf32>
      %sub3A_694 = arith.subf %min3A_692, %max3A_693 : vector<320x1xf32>
      %jit3A_695 = arith.constant 0.000000e+00 : f32
      %max3A_696 = vector.broadcast %jit3A_695 : f32 to vector<320x1xf32>
      %max3A_697 = arith.maximumf %max3A_696, %sub3A_694 : vector<320x1xf32>
      %min3A_698 = arith.minimumf %add3A_675, %add3A_691 : vector<320x1xf32>
      %max3A_699 = arith.maximumf %sub3A_671, %sub3A_687 : vector<320x1xf32>
      %sub3A_700 = arith.subf %min3A_698, %max3A_699 : vector<320x1xf32>
      %jit3A_701 = arith.constant 0.000000e+00 : f32
      %max3A_702 = vector.broadcast %jit3A_701 : f32 to vector<320x1xf32>
      %max3A_703 = arith.maximumf %max3A_702, %sub3A_700 : vector<320x1xf32>
      %mul3A_704 = arith.mulf %max3A_697, %max3A_703 : vector<320x1xf32>
      %mul3A_705 = arith.mulf %mul3A_615, %mul3A_631 : vector<320x1xf32>
      %mul3A_706 = arith.mulf %broadcast_in_dim3A_651, %broadcast_in_dim3A_659 : vector<320x1xf32>
      %add3A_707 = arith.addf %mul3A_705, %mul3A_706 : vector<320x1xf32>
      %sub3A_708 = arith.subf %add3A_707, %mul3A_704 : vector<320x1xf32>
      %add3A_709 = arith.constant 1.000000e-07 : f32
      %add3A_710 = vector.broadcast %add3A_709 : f32 to vector<320x1xf32>
      %add3A_711 = arith.addf %sub3A_708, %add3A_710 : vector<320x1xf32>
      %div3A_712 = arith.divf %mul3A_704, %add3A_711 : vector<320x1xf32>
      %max3A_713 = arith.maximumf %add3A_667, %add3A_683 : vector<320x1xf32>
      %min3A_714 = arith.minimumf %sub3A_663, %sub3A_679 : vector<320x1xf32>
      %sub3A_715 = arith.subf %max3A_713, %min3A_714 : vector<320x1xf32>
      %max3A_716 = arith.maximumf %add3A_675, %add3A_691 : vector<320x1xf32>
      %min3A_717 = arith.minimumf %sub3A_671, %sub3A_687 : vector<320x1xf32>
      %sub3A_718 = arith.subf %max3A_716, %min3A_717 : vector<320x1xf32>
      %mul3A_719 = arith.mulf %sub3A_715, %sub3A_715 : vector<320x1xf32>
      %mul3A_720 = arith.mulf %sub3A_718, %sub3A_718 : vector<320x1xf32>
      %add3A_721 = arith.addf %mul3A_719, %mul3A_720 : vector<320x1xf32>
      %add3A_722 = arith.constant 1.000000e-07 : f32
      %add3A_723 = vector.broadcast %add3A_722 : f32 to vector<320x1xf32>
      %add3A_724 = arith.addf %add3A_721, %add3A_723 : vector<320x1xf32>
      %add3A_725 = arith.addf %sub3A_679, %add3A_683 : vector<320x1xf32>
      %sub3A_726 = arith.subf %add3A_725, %sub3A_663 : vector<320x1xf32>
      %sub3A_727 = arith.subf %sub3A_726, %add3A_667 : vector<320x1xf32>
      %integer_pow3A_728 = arith.mulf %sub3A_727, %sub3A_727 : vector<320x1xf32>
      %add3A_729 = arith.addf %sub3A_687, %add3A_691 : vector<320x1xf32>
      %sub3A_730 = arith.subf %add3A_729, %sub3A_671 : vector<320x1xf32>
      %sub3A_731 = arith.subf %sub3A_730, %add3A_675 : vector<320x1xf32>
      %integer_pow3A_732 = arith.mulf %sub3A_731, %sub3A_731 : vector<320x1xf32>
      %add3A_733 = arith.addf %integer_pow3A_728, %integer_pow3A_732 : vector<320x1xf32>
      %mul3A_734 = arith.constant 2.500000e-01 : f32
      %mul3A_735 = vector.broadcast %mul3A_734 : f32 to vector<320x1xf32>
      %mul3A_736 = arith.mulf %add3A_733, %mul3A_735 : vector<320x1xf32>
      %div3A_737 = arith.divf %broadcast_in_dim3A_651, %broadcast_in_dim3A_659 : vector<320x1xf32>
      %gt3A_738 = arith.constant 1.000000e+00 : f32
      %gt3A_739 = vector.broadcast %gt3A_738 : f32 to vector<320x1xf32>
      %gt3A_740 = arith.cmpf ogt, %div3A_737, %gt3A_739 : vector<320x1xf32>
      %div3A_741 = arith.constant 1.000000e+00 : f32
      %div3A_742 = vector.broadcast %div3A_741 : f32 to vector<320x1xf32>
      %div3A_743 = arith.divf %div3A_742, %div3A_737 : vector<320x1xf32>
      %select_n3A_744 = arith.select %gt3A_740, %div3A_743, %div3A_737 : vector<320x1xi1>, vector<320x1xf32>
      %mul3A_745 = arith.mulf %select_n3A_744, %select_n3A_744 : vector<320x1xf32>
      %broadcast_in_dim3A_746 = arith.constant 0.000000e+00 : f32
      %broadcast_in_dim3A_747 = vector.broadcast %broadcast_in_dim3A_746 : f32 to vector<320x1xf32>
      %add3A_748 = arith.constant 0.00286622578 : f32
      %add3A_749 = vector.broadcast %add3A_748 : f32 to vector<320x1xf32>
      %add3A_750 = arith.addf %broadcast_in_dim3A_747, %add3A_749 : vector<320x1xf32>
      %mul3A_751 = arith.mulf %add3A_750, %mul3A_745 : vector<320x1xf32>
      %add3A_752 = arith.constant -0.0161657371 : f32
      %add3A_753 = vector.broadcast %add3A_752 : f32 to vector<320x1xf32>
      %add3A_754 = arith.addf %mul3A_751, %add3A_753 : vector<320x1xf32>
      %mul3A_755 = arith.mulf %add3A_754, %mul3A_745 : vector<320x1xf32>
      %add3A_756 = arith.constant 0.0429096147 : f32
      %add3A_757 = vector.broadcast %add3A_756 : f32 to vector<320x1xf32>
      %add3A_758 = arith.addf %mul3A_755, %add3A_757 : vector<320x1xf32>
      %mul3A_759 = arith.mulf %add3A_758, %mul3A_745 : vector<320x1xf32>
      %add3A_760 = arith.constant -0.0752896368 : f32
      %add3A_761 = vector.broadcast %add3A_760 : f32 to vector<320x1xf32>
      %add3A_762 = arith.addf %mul3A_759, %add3A_761 : vector<320x1xf32>
      %mul3A_763 = arith.mulf %add3A_762, %mul3A_745 : vector<320x1xf32>
      %add3A_764 = arith.constant 0.106562637 : f32
      %add3A_765 = vector.broadcast %add3A_764 : f32 to vector<320x1xf32>
      %add3A_766 = arith.addf %mul3A_763, %add3A_765 : vector<320x1xf32>
      %mul3A_767 = arith.mulf %add3A_766, %mul3A_745 : vector<320x1xf32>
      %add3A_768 = arith.constant -1.420890e-01 : f32
      %add3A_769 = vector.broadcast %add3A_768 : f32 to vector<320x1xf32>
      %add3A_770 = arith.addf %mul3A_767, %add3A_769 : vector<320x1xf32>
      %mul3A_771 = arith.mulf %add3A_770, %mul3A_745 : vector<320x1xf32>
      %add3A_772 = arith.constant 0.199935511 : f32
      %add3A_773 = vector.broadcast %add3A_772 : f32 to vector<320x1xf32>
      %add3A_774 = arith.addf %mul3A_771, %add3A_773 : vector<320x1xf32>
      %mul3A_775 = arith.mulf %add3A_774, %mul3A_745 : vector<320x1xf32>
      %add3A_776 = arith.constant -0.333331466 : f32
      %add3A_777 = vector.broadcast %add3A_776 : f32 to vector<320x1xf32>
      %add3A_778 = arith.addf %mul3A_775, %add3A_777 : vector<320x1xf32>
      %mul3A_779 = arith.mulf %add3A_778, %mul3A_745 : vector<320x1xf32>
      %mul3A_780 = arith.mulf %select_n3A_744, %mul3A_779 : vector<320x1xf32>
      %add3A_781 = arith.addf %select_n3A_744, %mul3A_780 : vector<320x1xf32>
      %sub3A_782 = arith.constant 1.57079637 : f32
      %sub3A_783 = vector.broadcast %sub3A_782 : f32 to vector<320x1xf32>
      %sub3A_784 = arith.subf %sub3A_783, %add3A_781 : vector<320x1xf32>
      %select_n3A_785 = arith.select %gt3A_740, %sub3A_784, %add3A_781 : vector<320x1xi1>, vector<320x1xf32>
      %div3A_786 = arith.divf %mul3A_615, %mul3A_631 : vector<320x1xf32>
      %gt3A_787 = arith.constant 1.000000e+00 : f32
      %gt3A_788 = vector.broadcast %gt3A_787 : f32 to vector<320x1xf32>
      %gt3A_789 = arith.cmpf ogt, %div3A_786, %gt3A_788 : vector<320x1xf32>
      %div3A_790 = arith.constant 1.000000e+00 : f32
      %div3A_791 = vector.broadcast %div3A_790 : f32 to vector<320x1xf32>
      %div3A_792 = arith.divf %div3A_791, %div3A_786 : vector<320x1xf32>
      %select_n3A_793 = arith.select %gt3A_789, %div3A_792, %div3A_786 : vector<320x1xi1>, vector<320x1xf32>
      %mul3A_794 = arith.mulf %select_n3A_793, %select_n3A_793 : vector<320x1xf32>
      %broadcast_in_dim3A_795 = arith.constant 0.000000e+00 : f32
      %broadcast_in_dim3A_796 = vector.broadcast %broadcast_in_dim3A_795 : f32 to vector<320x1xf32>
      %add3A_797 = arith.constant 0.00286622578 : f32
      %add3A_798 = vector.broadcast %add3A_797 : f32 to vector<320x1xf32>
      %add3A_799 = arith.addf %broadcast_in_dim3A_796, %add3A_798 : vector<320x1xf32>
      %mul3A_800 = arith.mulf %add3A_799, %mul3A_794 : vector<320x1xf32>
      %add3A_801 = arith.constant -0.0161657371 : f32
      %add3A_802 = vector.broadcast %add3A_801 : f32 to vector<320x1xf32>
      %add3A_803 = arith.addf %mul3A_800, %add3A_802 : vector<320x1xf32>
      %mul3A_804 = arith.mulf %add3A_803, %mul3A_794 : vector<320x1xf32>
      %add3A_805 = arith.constant 0.0429096147 : f32
      %add3A_806 = vector.broadcast %add3A_805 : f32 to vector<320x1xf32>
      %add3A_807 = arith.addf %mul3A_804, %add3A_806 : vector<320x1xf32>
      %mul3A_808 = arith.mulf %add3A_807, %mul3A_794 : vector<320x1xf32>
      %add3A_809 = arith.constant -0.0752896368 : f32
      %add3A_810 = vector.broadcast %add3A_809 : f32 to vector<320x1xf32>
      %add3A_811 = arith.addf %mul3A_808, %add3A_810 : vector<320x1xf32>
      %mul3A_812 = arith.mulf %add3A_811, %mul3A_794 : vector<320x1xf32>
      %add3A_813 = arith.constant 0.106562637 : f32
      %add3A_814 = vector.broadcast %add3A_813 : f32 to vector<320x1xf32>
      %add3A_815 = arith.addf %mul3A_812, %add3A_814 : vector<320x1xf32>
      %mul3A_816 = arith.mulf %add3A_815, %mul3A_794 : vector<320x1xf32>
      %add3A_817 = arith.constant -1.420890e-01 : f32
      %add3A_818 = vector.broadcast %add3A_817 : f32 to vector<320x1xf32>
      %add3A_819 = arith.addf %mul3A_816, %add3A_818 : vector<320x1xf32>
      %mul3A_820 = arith.mulf %add3A_819, %mul3A_794 : vector<320x1xf32>
      %add3A_821 = arith.constant 0.199935511 : f32
      %add3A_822 = vector.broadcast %add3A_821 : f32 to vector<320x1xf32>
      %add3A_823 = arith.addf %mul3A_820, %add3A_822 : vector<320x1xf32>
      %mul3A_824 = arith.mulf %add3A_823, %mul3A_794 : vector<320x1xf32>
      %add3A_825 = arith.constant -0.333331466 : f32
      %add3A_826 = vector.broadcast %add3A_825 : f32 to vector<320x1xf32>
      %add3A_827 = arith.addf %mul3A_824, %add3A_826 : vector<320x1xf32>
      %mul3A_828 = arith.mulf %add3A_827, %mul3A_794 : vector<320x1xf32>
      %mul3A_829 = arith.mulf %select_n3A_793, %mul3A_828 : vector<320x1xf32>
      %add3A_830 = arith.addf %select_n3A_793, %mul3A_829 : vector<320x1xf32>
      %sub3A_831 = arith.constant 1.57079637 : f32
      %sub3A_832 = vector.broadcast %sub3A_831 : f32 to vector<320x1xf32>
      %sub3A_833 = arith.subf %sub3A_832, %add3A_830 : vector<320x1xf32>
      %select_n3A_834 = arith.select %gt3A_789, %sub3A_833, %add3A_830 : vector<320x1xi1>, vector<320x1xf32>
      %sub3A_835 = arith.subf %select_n3A_785, %select_n3A_834 : vector<320x1xf32>
      %integer_pow3A_836 = arith.mulf %sub3A_835, %sub3A_835 : vector<320x1xf32>
      %mul3A_837 = arith.constant 0.405284733 : f32
      %mul3A_838 = vector.broadcast %mul3A_837 : f32 to vector<320x1xf32>
      %mul3A_839 = arith.mulf %mul3A_838, %integer_pow3A_836 : vector<320x1xf32>
      %sub3A_840 = arith.subf %mul3A_839, %div3A_712 : vector<320x1xf32>
      %add3A_841 = arith.constant 1.00000012 : f32
      %add3A_842 = vector.broadcast %add3A_841 : f32 to vector<320x1xf32>
      %add3A_843 = arith.addf %sub3A_840, %add3A_842 : vector<320x1xf32>
      %div3A_844 = arith.divf %mul3A_839, %add3A_843 : vector<320x1xf32>
      %div3A_845 = arith.divf %mul3A_736, %add3A_724 : vector<320x1xf32>
      %mul3A_846 = arith.mulf %mul3A_839, %div3A_844 : vector<320x1xf32>
      %add3A_847 = arith.addf %div3A_845, %mul3A_846 : vector<320x1xf32>
      %sub3A_848 = arith.subf %div3A_712, %add3A_847 : vector<320x1xf32>
      %add3A_849 = arith.constant 0 : i32
      %add3A_850 = arith.addi %add3A_849, %arg1 : i32
      %get3A_851 = arith.index_cast %add3A_850 : i32 to index
      %get3A_852 = memref.load %arg11[%get3A_851] : memref<12xf32, #tpu.memory_space<smem>>
      %reduce_sum3A_853 = vector.shape_cast %broadcast_in_dim3A_536 : vector<320x1xf32> to vector<1x320x1xf32>
      %reduce_sum3A_854 = arith.constant dense<0.000000e+00> : vector<1xf32>
      %reduce_sum3A_855 = vector.multi_reduction <add>, %reduce_sum3A_853, %reduce_sum3A_854 [1, 2] : vector<1x320x1xf32> to vector<1xf32>
      %reduce_sum3A_856 = vector.shape_cast %reduce_sum3A_855 : vector<1xf32> to vector<1x1x1xf32>
      %reduce_sum3A_857 = vector.extract %reduce_sum3A_856[0, 0, 0] : f32 from vector<1x1x1xf32>
      %add3A_858 = arith.addf %get3A_852, %reduce_sum3A_857 : f32
      %swap3A_859 = arith.index_cast %add3A_850 : i32 to index
      %swap3A_860 = memref.load %arg11[%swap3A_859] : memref<12xf32, #tpu.memory_space<smem>>
      memref.store %add3A_858, %arg11[%swap3A_859] : memref<12xf32, #tpu.memory_space<smem>>
      %add3A_861 = arith.constant 2 : i32
      %add3A_862 = arith.addi %add3A_861, %arg1 : i32
      %get3A_863 = arith.index_cast %add3A_862 : i32 to index
      %get3A_864 = memref.load %arg11[%get3A_863] : memref<12xf32, #tpu.memory_space<smem>>
      %sub3A_865 = arith.constant 1.000000e+00 : f32
      %sub3A_866 = vector.broadcast %sub3A_865 : f32 to vector<320x1xf32>
      %sub3A_867 = arith.subf %sub3A_866, %sub3A_848 : vector<320x1xf32>
      %mul3A_868 = arith.mulf %sub3A_867, %broadcast_in_dim3A_536 : vector<320x1xf32>
      %reduce_sum3A_869 = vector.shape_cast %mul3A_868 : vector<320x1xf32> to vector<1x320x1xf32>
      %reduce_sum3A_870 = arith.constant dense<0.000000e+00> : vector<1xf32>
      %reduce_sum3A_871 = vector.multi_reduction <add>, %reduce_sum3A_869, %reduce_sum3A_870 [1, 2] : vector<1x320x1xf32> to vector<1xf32>
      %reduce_sum3A_872 = vector.shape_cast %reduce_sum3A_871 : vector<1xf32> to vector<1x1x1xf32>
      %reduce_sum3A_873 = vector.extract %reduce_sum3A_872[0, 0, 0] : f32 from vector<1x1x1xf32>
      %add3A_874 = arith.addf %get3A_864, %reduce_sum3A_873 : f32
      %swap3A_875 = arith.index_cast %add3A_862 : i32 to index
      %swap3A_876 = memref.load %arg11[%swap3A_875] : memref<12xf32, #tpu.memory_space<smem>>
      memref.store %add3A_874, %arg11[%swap3A_875] : memref<12xf32, #tpu.memory_space<smem>>
      %slice3A_877 = vector.extract_strided_slice %get3A_19 {offsets = [0, 5], sizes = [320, 23], strides = [1, 1]} : vector<320x60xf32> to vector<320x23xf32>
      %broadcast_in_dim3A_878 = vector.shape_cast %slice3A_208 : vector<1x20xf32> to vector<1x20xf32>
      %broadcast_in_dim3A_879 = vector.broadcast %broadcast_in_dim3A_878 : vector<1x20xf32> to vector<16x20xf32>
      %dot_general3A_880 = arith.constant dense<0.000000e+00> : vector<320x20xf32>
      %dot_general3A_881 = tpu.matmul %convert_element_type3A_530, %broadcast_in_dim3A_879, %dot_general3A_880 {dimension_numbers = #tpu.dot_dimension_numbers<[1], [0], [0], [1], [0, 0, 1, 1], [], []>, transpose_lhs_hint = false} : vector<320x16xf32>, vector<16x20xf32>, vector<320x20xf32> -> vector<320x20xf32>
      %mul3A_882 = arith.mulf %dot_general3A_881, %convert_element_type3A_32 : vector<320x20xf32>
      %reduce_sum3A_883 = arith.constant dense<0.000000e+00> : vector<320xf32>
      %reduce_sum3A_884 = vector.multi_reduction <add>, %mul3A_882, %reduce_sum3A_883 [1] : vector<320x20xf32> to vector<320xf32>
      %broadcast_in_dim3A_885 = vector.shape_cast %reduce_sum3A_884 : vector<320xf32> to vector<320x1xf32>
      %iota3A_886 = tpu.iota {dimensions = array<i32: 1>} : vector<1x23xi32>
      %convert_element_type3A_887 = arith.sitofp %iota3A_886 : vector<1x23xi32> to vector<1x23xf32>
      %eq3A_888 = vector.broadcast %convert_element_type3A_887 : vector<1x23xf32> to vector<320x23xf32>
      %eq3A_889 = vector.broadcast %broadcast_in_dim3A_885 : vector<320x1xf32> to vector<320x23xf32>
      %eq3A_890 = arith.cmpf oeq, %eq3A_888, %eq3A_889 : vector<320x23xf32>
      %convert_element_type3A_891 = arith.extui %eq3A_890 : vector<320x23xi1> to vector<320x23xi32>
      %convert_element_type3A_892 = arith.sitofp %convert_element_type3A_891 : vector<320x23xi32> to vector<320x23xf32>
      %mul3A_893 = arith.constant 0.999989986 : f32
      %mul3A_894 = vector.broadcast %mul3A_893 : f32 to vector<320x23xf32>
      %mul3A_895 = arith.mulf %mul3A_894, %convert_element_type3A_892 : vector<320x23xf32>
      %add3A_896 = arith.constant 5.000000e-06 : f32
      %add3A_897 = vector.broadcast %add3A_896 : f32 to vector<320x23xf32>
      %add3A_898 = arith.addf %add3A_897, %mul3A_895 : vector<320x23xf32>
      %max3A_899 = arith.constant 0.000000e+00 : f32
      %max3A_900 = vector.broadcast %max3A_899 : f32 to vector<320x23xf32>
      %max3A_901 = arith.maximumf %slice3A_877, %max3A_900 : vector<320x23xf32>
      %abs3A = math.absf %slice3A_877 : vector<320x23xf32>
      %neg3A_902 = arith.constant 0.000000e+00 : f32
      %neg3A_903 = vector.broadcast %neg3A_902 : f32 to vector<320x23xf32>
      %neg3A_904 = arith.subf %neg3A_903, %abs3A : vector<320x23xf32>
      %exp3A_905 = math.exp %neg3A_904 : vector<320x23xf32>
      %log1p3A_906 = math.log1p %exp3A_905 : vector<320x23xf32>
      %add3A_907 = arith.addf %max3A_901, %log1p3A_906 : vector<320x23xf32>
      %mul3A_908 = arith.mulf %slice3A_877, %add3A_898 : vector<320x23xf32>
      %sub3A_909 = arith.subf %add3A_907, %mul3A_908 : vector<320x23xf32>
      %reduce_sum3A_910 = arith.constant dense<0.000000e+00> : vector<320xf32>
      %reduce_sum3A_911 = vector.multi_reduction <add>, %sub3A_909, %reduce_sum3A_910 [1] : vector<320x23xf32> to vector<320xf32>
      %broadcast_in_dim3A_912 = vector.shape_cast %reduce_sum3A_911 : vector<320xf32> to vector<320x1xf32>
      %add3A_913 = arith.constant 4 : i32
      %add3A_914 = arith.addi %add3A_913, %arg1 : i32
      %get3A_915 = arith.index_cast %add3A_914 : i32 to index
      %get3A_916 = memref.load %arg11[%get3A_915] : memref<12xf32, #tpu.memory_space<smem>>
      %mul3A_917 = arith.mulf %broadcast_in_dim3A_912, %broadcast_in_dim3A_536 : vector<320x1xf32>
      %reduce_sum3A_918 = vector.shape_cast %mul3A_917 : vector<320x1xf32> to vector<1x320x1xf32>
      %reduce_sum3A_919 = arith.constant dense<0.000000e+00> : vector<1xf32>
      %reduce_sum3A_920 = vector.multi_reduction <add>, %reduce_sum3A_918, %reduce_sum3A_919 [1, 2] : vector<1x320x1xf32> to vector<1xf32>
      %reduce_sum3A_921 = vector.shape_cast %reduce_sum3A_920 : vector<1xf32> to vector<1x1x1xf32>
      %reduce_sum3A_922 = vector.extract %reduce_sum3A_921[0, 0, 0] : f32 from vector<1x1x1xf32>
      %add3A_923 = arith.addf %get3A_916, %reduce_sum3A_922 : f32
      %swap3A_924 = arith.index_cast %add3A_914 : i32 to index
      %swap3A_925 = memref.load %arg11[%swap3A_924] : memref<12xf32, #tpu.memory_space<smem>>
      memref.store %add3A_923, %arg11[%swap3A_924] : memref<12xf32, #tpu.memory_space<smem>>
      %add3A_926 = arith.constant 6 : i32
      %add3A_927 = arith.addi %add3A_926, %arg1 : i32
      %get3A_928 = arith.index_cast %add3A_927 : i32 to index
      %get3A_929 = memref.load %arg11[%get3A_928] : memref<12xf32, #tpu.memory_space<smem>>
      %get3A_930 = arith.constant 0 : index
      %get3A_931 = arith.constant 0 : index
      %get3A_932 = arith.constant 0 : index
      %get3A_933 = arith.constant 0 : index
      %get3A_934 = vector.load %arg8[%get3A_930, %get3A_931, %get3A_932, %get3A_933] : memref<1x1x96x128xf32, #tpu.memory_space<vmem>>, vector<1x1x96x128xf32>
      %get3A_935 = vector.shape_cast %get3A_934 : vector<1x1x96x128xf32> to vector<96x128xf32>
      %max3A_936 = arith.constant 0.000000e+00 : f32
      %max3A_937 = vector.broadcast %max3A_936 : f32 to vector<96x128xf32>
      %max3A_938 = arith.maximumf %get3A_935, %max3A_937 : vector<96x128xf32>
      %abs3A_939 = math.absf %get3A_935 : vector<96x128xf32>
      %neg3A_940 = arith.constant 0.000000e+00 : f32
      %neg3A_941 = vector.broadcast %neg3A_940 : f32 to vector<96x128xf32>
      %neg3A_942 = arith.subf %neg3A_941, %abs3A_939 : vector<96x128xf32>
      %exp3A_943 = math.exp %neg3A_942 : vector<96x128xf32>
      %log1p3A_944 = math.log1p %exp3A_943 : vector<96x128xf32>
      %add3A_945 = arith.addf %max3A_938, %log1p3A_944 : vector<96x128xf32>
      %reduce_sum3A_946 = vector.shape_cast %add3A_945 : vector<96x128xf32> to vector<1x96x128xf32>
      %reduce_sum3A_947 = arith.constant dense<0.000000e+00> : vector<1xf32>
      %reduce_sum3A_948 = vector.multi_reduction <add>, %reduce_sum3A_946, %reduce_sum3A_947 [1, 2] : vector<1x96x128xf32> to vector<1xf32>
      %reduce_sum3A_949 = vector.shape_cast %reduce_sum3A_948 : vector<1xf32> to vector<1x1x1xf32>
      %reduce_sum3A_950 = vector.extract %reduce_sum3A_949[0, 0, 0] : f32 from vector<1x1x1xf32>
      %add3A_951 = arith.addf %get3A_929, %reduce_sum3A_950 : f32
      %swap3A_952 = arith.index_cast %add3A_927 : i32 to index
      %swap3A_953 = memref.load %arg11[%swap3A_952] : memref<12xf32, #tpu.memory_space<smem>>
      memref.store %add3A_951, %arg11[%swap3A_952] : memref<12xf32, #tpu.memory_space<smem>>
      %dot_general3A_954 = arith.constant dense<0.000000e+00> : vector<320x20xf32>
      %dot_general3A_955 = tpu.matmul %convert_element_type3A_530, %add3A_516, %dot_general3A_954 {dimension_numbers = #tpu.dot_dimension_numbers<[1], [0], [0], [1], [0, 0, 1, 1], [], []>, transpose_lhs_hint = false} : vector<320x16xf32>, vector<16x20xf32>, vector<320x20xf32> -> vector<320x20xf32>
      %mul3A_956 = arith.mulf %dot_general3A_955, %convert_element_type3A_32 : vector<320x20xf32>
      %reduce_sum3A_957 = arith.constant dense<0.000000e+00> : vector<320xf32>
      %reduce_sum3A_958 = vector.multi_reduction <add>, %mul3A_956, %reduce_sum3A_957 [1] : vector<320x20xf32> to vector<320xf32>
      %broadcast_in_dim3A_959 = vector.shape_cast %reduce_sum3A_958 : vector<320xf32> to vector<320x1xf32>
      %iota3A_960 = tpu.iota {dimensions = array<i32: 0>} : vector<320x320xi32>
      %convert_element_type3A_961 = arith.sitofp %iota3A_960 : vector<320x320xi32> to vector<320x320xf32>
      %iota3A_962 = tpu.iota {dimensions = array<i32: 1>} : vector<320x320xi32>
      %convert_element_type3A_963 = arith.sitofp %iota3A_962 : vector<320x320xi32> to vector<320x320xf32>
      %eq3A_964 = arith.cmpf oeq, %convert_element_type3A_961, %convert_element_type3A_963 : vector<320x320xf32>
      %convert_element_type3A_965 = arith.extui %eq3A_964 : vector<320x320xi1> to vector<320x320xi32>
      %convert_element_type3A_966 = arith.sitofp %convert_element_type3A_965 : vector<320x320xi32> to vector<320x320xf32>
      %concatenate3A = tpu.concatenate %broadcast_in_dim3A_959, %broadcast_in_dim3A_536 in 1 : vector<320x1xf32>, vector<320x1xf32> -> vector<320x2xf32>
      %dot_general3A_967 = arith.constant dense<0.000000e+00> : vector<2x320xf32>
      %dot_general3A_968 = tpu.matmul %concatenate3A, %convert_element_type3A_966, %dot_general3A_967 {dimension_numbers = #tpu.dot_dimension_numbers<[0], [0], [1], [1], [0, 1, 1, 1], [], []>, transpose_lhs_hint = false} : vector<320x2xf32>, vector<320x320xf32>, vector<2x320xf32> -> vector<2x320xf32>
      %slice3A_969 = vector.extract_strided_slice %dot_general3A_968 {offsets = [0, 0], sizes = [1, 320], strides = [1, 1]} : vector<2x320xf32> to vector<1x320xf32>
      %slice3A_970 = vector.extract_strided_slice %dot_general3A_968 {offsets = [1, 0], sizes = [1, 320], strides = [1, 1]} : vector<2x320xf32> to vector<1x320xf32>
      %iota3A_971 = tpu.iota {dimensions = array<i32: 0>} : vector<320x1xi32>
      %convert_element_type3A_972 = arith.sitofp %iota3A_971 : vector<320x1xi32> to vector<320x1xf32>
      %iota3A_973 = tpu.iota {dimensions = array<i32: 1>} : vector<1x320xi32>
      %convert_element_type3A_974 = arith.sitofp %iota3A_973 : vector<1x320xi32> to vector<1x320xf32>
      %gt3A_975 = vector.broadcast %convert_element_type3A_974 : vector<1x320xf32> to vector<320x320xf32>
      %gt3A_976 = vector.broadcast %convert_element_type3A_972 : vector<320x1xf32> to vector<320x320xf32>
      %gt3A_977 = arith.cmpf ogt, %gt3A_975, %gt3A_976 : vector<320x320xf32>
      %eq3A_978 = vector.broadcast %slice3A_969 : vector<1x320xf32> to vector<320x320xf32>
      %eq3A_979 = vector.broadcast %broadcast_in_dim3A_959 : vector<320x1xf32> to vector<320x320xf32>
      %eq3A_980 = arith.cmpf oeq, %eq3A_978, %eq3A_979 : vector<320x320xf32>
      %and3A_981 = arith.andi %gt3A_977, %eq3A_980 : vector<320x320xi1>
      %gt3A_982 = arith.constant 5.000000e-01 : f32
      %gt3A_983 = vector.broadcast %gt3A_982 : f32 to vector<1x320xf32>
      %gt3A_984 = arith.cmpf ogt, %slice3A_970, %gt3A_983 : vector<1x320xf32>
      %and3A_985 = vector.broadcast %gt3A_984 : vector<1x320xi1> to vector<320x320xi1>
      %and3A_986 = arith.andi %and3A_981, %and3A_985 : vector<320x320xi1>
      %convert_element_type3A_987 = arith.extui %and3A_986 : vector<320x320xi1> to vector<320x320xi32>
      %convert_element_type3A_988 = arith.sitofp %convert_element_type3A_987 : vector<320x320xi32> to vector<320x320xf32>
      %reduce_max3A = arith.constant dense<0xFF800000> : vector<320xf32>
      %reduce_max3A_989 = vector.multi_reduction <maximumf>, %convert_element_type3A_988, %reduce_max3A [1] : vector<320x320xf32> to vector<320xf32>
      %broadcast_in_dim3A_990 = vector.shape_cast %reduce_max3A_989 : vector<320xf32> to vector<320x1xf32>
      %sub3A_991 = arith.constant 1.000000e+00 : f32
      %sub3A_992 = vector.broadcast %sub3A_991 : f32 to vector<320x1xf32>
      %sub3A_993 = arith.subf %sub3A_992, %broadcast_in_dim3A_990 : vector<320x1xf32>
      %mul3A_994 = arith.mulf %broadcast_in_dim3A_536, %sub3A_993 : vector<320x1xf32>
      %jit3A_995 = arith.constant 0.000000e+00 : f32
      %max3A_996 = vector.broadcast %jit3A_995 : f32 to vector<320x1xf32>
      %max3A_997 = arith.maximumf %max3A_996, %sub3A_848 : vector<320x1xf32>
      %add3A_998 = arith.constant 8 : i32
      %add3A_999 = arith.addi %add3A_998, %arg1 : i32
      %get3A_1000 = arith.index_cast %add3A_999 : i32 to index
      %get3A_1001 = memref.load %arg11[%get3A_1000] : memref<12xf32, #tpu.memory_space<smem>>
      %slice3A_1002 = vector.extract_strided_slice %get3A_19 {offsets = [0, 4], sizes = [320, 1], strides = [1, 1]} : vector<320x60xf32> to vector<320x1xf32>
      %mul3A_1003 = arith.mulf %mul3A_994, %slice3A_1002 : vector<320x1xf32>
      %mul3A_1004 = arith.mulf %mul3A_1003, %max3A_997 : vector<320x1xf32>
      %reduce_sum3A_1005 = vector.shape_cast %mul3A_1004 : vector<320x1xf32> to vector<1x320x1xf32>
      %reduce_sum3A_1006 = arith.constant dense<0.000000e+00> : vector<1xf32>
      %reduce_sum3A_1007 = vector.multi_reduction <add>, %reduce_sum3A_1005, %reduce_sum3A_1006 [1, 2] : vector<1x320x1xf32> to vector<1xf32>
      %reduce_sum3A_1008 = vector.shape_cast %reduce_sum3A_1007 : vector<1xf32> to vector<1x1x1xf32>
      %reduce_sum3A_1009 = vector.extract %reduce_sum3A_1008[0, 0, 0] : f32 from vector<1x1x1xf32>
      %add3A_1010 = arith.addf %get3A_1001, %reduce_sum3A_1009 : f32
      %swap3A_1011 = arith.index_cast %add3A_999 : i32 to index
      %swap3A_1012 = memref.load %arg11[%swap3A_1011] : memref<12xf32, #tpu.memory_space<smem>>
      memref.store %add3A_1010, %arg11[%swap3A_1011] : memref<12xf32, #tpu.memory_space<smem>>
      %swap3A_1013 = arith.constant 0.000000e+00 : f32
      %swap3A_1014 = arith.constant 11 : index
      %swap3A_1015 = memref.load %arg11[%swap3A_1014] : memref<12xf32, #tpu.memory_space<smem>>
      memref.store %swap3A_1013, %arg11[%swap3A_1014] : memref<12xf32, #tpu.memory_space<smem>>
    } else {
    }
    %get3A_38 = arith.constant 0 : index
    %get3A_39 = arith.constant 0 : index
    %get3A_40 = arith.constant 0 : index
    %get3A_41 = vector.load %arg4[%get3A_38, %get3A_39, %get3A_40] : memref<1x20x6xf32, #tpu.memory_space<vmem>>, vector<1x20x6xf32>
    %get3A_42 = vector.shape_cast %get3A_41 : vector<1x20x6xf32> to vector<20x6xf32>
    %iota3A_43 = tpu.iota {dimensions = array<i32: 1>} : vector<1x6xi32>
    %convert_element_type3A_44 = arith.sitofp %iota3A_43 : vector<1x6xi32> to vector<1x6xf32>
    %eq3A_45 = arith.constant 2.000000e+00 : f32
    %eq3A_46 = vector.broadcast %eq3A_45 : f32 to vector<1x6xf32>
    %eq3A_47 = arith.cmpf oeq, %convert_element_type3A_44, %eq3A_46 : vector<1x6xf32>
    %convert_element_type3A_48 = arith.extui %eq3A_47 : vector<1x6xi1> to vector<1x6xi32>
    %convert_element_type3A_49 = arith.sitofp %convert_element_type3A_48 : vector<1x6xi32> to vector<1x6xf32>
    %mul3A_50 = vector.broadcast %convert_element_type3A_49 : vector<1x6xf32> to vector<20x6xf32>
    %mul3A_51 = arith.mulf %get3A_42, %mul3A_50 : vector<20x6xf32>
    %reduce_sum3A = arith.constant dense<0.000000e+00> : vector<20xf32>
    %reduce_sum3A_52 = vector.multi_reduction <add>, %mul3A_51, %reduce_sum3A [1] : vector<20x6xf32> to vector<20xf32>
    %broadcast_in_dim3A = vector.shape_cast %reduce_sum3A_52 : vector<20xf32> to vector<20x1xf32>
    %mul3A_53 = arith.constant 6.400000e+01 : f32
    %mul3A_54 = vector.broadcast %mul3A_53 : f32 to vector<20x1xf32>
    %mul3A_55 = arith.mulf %broadcast_in_dim3A, %mul3A_54 : vector<20x1xf32>
    %iota3A_56 = tpu.iota {dimensions = array<i32: 1>} : vector<1x6xi32>
    %convert_element_type3A_57 = arith.sitofp %iota3A_56 : vector<1x6xi32> to vector<1x6xf32>
    %eq3A_58 = arith.constant 3.000000e+00 : f32
    %eq3A_59 = vector.broadcast %eq3A_58 : f32 to vector<1x6xf32>
    %eq3A_60 = arith.cmpf oeq, %convert_element_type3A_57, %eq3A_59 : vector<1x6xf32>
    %convert_element_type3A_61 = arith.extui %eq3A_60 : vector<1x6xi1> to vector<1x6xi32>
    %convert_element_type3A_62 = arith.sitofp %convert_element_type3A_61 : vector<1x6xi32> to vector<1x6xf32>
    %mul3A_63 = vector.broadcast %convert_element_type3A_62 : vector<1x6xf32> to vector<20x6xf32>
    %mul3A_64 = arith.mulf %get3A_42, %mul3A_63 : vector<20x6xf32>
    %reduce_sum3A_65 = arith.constant dense<0.000000e+00> : vector<20xf32>
    %reduce_sum3A_66 = vector.multi_reduction <add>, %mul3A_64, %reduce_sum3A_65 [1] : vector<20x6xf32> to vector<20xf32>
    %broadcast_in_dim3A_67 = vector.shape_cast %reduce_sum3A_66 : vector<20xf32> to vector<20x1xf32>
    %mul3A_68 = arith.constant 6.400000e+01 : f32
    %mul3A_69 = vector.broadcast %mul3A_68 : f32 to vector<20x1xf32>
    %mul3A_70 = arith.mulf %broadcast_in_dim3A_67, %mul3A_69 : vector<20x1xf32>
    %iota3A_71 = tpu.iota {dimensions = array<i32: 1>} : vector<1x6xi32>
    %convert_element_type3A_72 = arith.sitofp %iota3A_71 : vector<1x6xi32> to vector<1x6xf32>
    %eq3A_73 = arith.constant 4.000000e+00 : f32
    %eq3A_74 = vector.broadcast %eq3A_73 : f32 to vector<1x6xf32>
    %eq3A_75 = arith.cmpf oeq, %convert_element_type3A_72, %eq3A_74 : vector<1x6xf32>
    %convert_element_type3A_76 = arith.extui %eq3A_75 : vector<1x6xi1> to vector<1x6xi32>
    %convert_element_type3A_77 = arith.sitofp %convert_element_type3A_76 : vector<1x6xi32> to vector<1x6xf32>
    %mul3A_78 = vector.broadcast %convert_element_type3A_77 : vector<1x6xf32> to vector<20x6xf32>
    %mul3A_79 = arith.mulf %get3A_42, %mul3A_78 : vector<20x6xf32>
    %reduce_sum3A_80 = arith.constant dense<0.000000e+00> : vector<20xf32>
    %reduce_sum3A_81 = vector.multi_reduction <add>, %mul3A_79, %reduce_sum3A_80 [1] : vector<20x6xf32> to vector<20xf32>
    %broadcast_in_dim3A_82 = vector.shape_cast %reduce_sum3A_81 : vector<20xf32> to vector<20x1xf32>
    %mul3A_83 = arith.constant 6.400000e+01 : f32
    %mul3A_84 = vector.broadcast %mul3A_83 : f32 to vector<20x1xf32>
    %mul3A_85 = arith.mulf %broadcast_in_dim3A_82, %mul3A_84 : vector<20x1xf32>
    %iota3A_86 = tpu.iota {dimensions = array<i32: 1>} : vector<1x6xi32>
    %convert_element_type3A_87 = arith.sitofp %iota3A_86 : vector<1x6xi32> to vector<1x6xf32>
    %eq3A_88 = arith.constant 5.000000e+00 : f32
    %eq3A_89 = vector.broadcast %eq3A_88 : f32 to vector<1x6xf32>
    %eq3A_90 = arith.cmpf oeq, %convert_element_type3A_87, %eq3A_89 : vector<1x6xf32>
    %convert_element_type3A_91 = arith.extui %eq3A_90 : vector<1x6xi1> to vector<1x6xi32>
    %convert_element_type3A_92 = arith.sitofp %convert_element_type3A_91 : vector<1x6xi32> to vector<1x6xf32>
    %mul3A_93 = vector.broadcast %convert_element_type3A_92 : vector<1x6xf32> to vector<20x6xf32>
    %mul3A_94 = arith.mulf %get3A_42, %mul3A_93 : vector<20x6xf32>
    %reduce_sum3A_95 = arith.constant dense<0.000000e+00> : vector<20xf32>
    %reduce_sum3A_96 = vector.multi_reduction <add>, %mul3A_94, %reduce_sum3A_95 [1] : vector<20x6xf32> to vector<20xf32>
    %broadcast_in_dim3A_97 = vector.shape_cast %reduce_sum3A_96 : vector<20xf32> to vector<20x1xf32>
    %mul3A_98 = arith.constant 6.400000e+01 : f32
    %mul3A_99 = vector.broadcast %mul3A_98 : f32 to vector<20x1xf32>
    %mul3A_100 = arith.mulf %broadcast_in_dim3A_97, %mul3A_99 : vector<20x1xf32>
    %mul3A_101 = arith.constant 2.000000e+00 : f32
    %mul3A_102 = vector.broadcast %mul3A_101 : f32 to vector<20x1xf32>
    %mul3A_103 = arith.mulf %mul3A_102, %mul3A_55 : vector<20x1xf32>
    %sub3A_104 = arith.subf %mul3A_103, %mul3A_85 : vector<20x1xf32>
    %mul3A_105 = arith.constant 2.000000e+00 : f32
    %mul3A_106 = vector.broadcast %mul3A_105 : f32 to vector<20x1xf32>
    %mul3A_107 = arith.mulf %mul3A_106, %mul3A_55 : vector<20x1xf32>
    %add3A = arith.addf %mul3A_107, %mul3A_85 : vector<20x1xf32>
    %mul3A_108 = arith.constant 2.000000e+00 : f32
    %mul3A_109 = vector.broadcast %mul3A_108 : f32 to vector<20x1xf32>
    %mul3A_110 = arith.mulf %mul3A_109, %mul3A_70 : vector<20x1xf32>
    %sub3A_111 = arith.subf %mul3A_110, %mul3A_100 : vector<20x1xf32>
    %mul3A_112 = arith.constant 2.000000e+00 : f32
    %mul3A_113 = vector.broadcast %mul3A_112 : f32 to vector<20x1xf32>
    %mul3A_114 = arith.mulf %mul3A_113, %mul3A_70 : vector<20x1xf32>
    %add3A_115 = arith.addf %mul3A_114, %mul3A_100 : vector<20x1xf32>
    %iota3A_116 = tpu.iota {dimensions = array<i32: 1>} : vector<1x8192xi32>
    %convert_element_type3A_117 = arith.sitofp %iota3A_116 : vector<1x8192xi32> to vector<1x8192xf32>
    %mul3A_118 = arith.constant 7.812500e-03 : f32
    %mul3A_119 = vector.broadcast %mul3A_118 : f32 to vector<1x8192xf32>
    %mul3A_120 = arith.mulf %convert_element_type3A_117, %mul3A_119 : vector<1x8192xf32>
    %floor3A_121 = math.floor %mul3A_120 : vector<1x8192xf32>
    %mul3A_122 = arith.constant 1.280000e+02 : f32
    %mul3A_123 = vector.broadcast %mul3A_122 : f32 to vector<1x8192xf32>
    %mul3A_124 = arith.mulf %mul3A_123, %floor3A_121 : vector<1x8192xf32>
    %sub3A_125 = arith.subf %convert_element_type3A_117, %mul3A_124 : vector<1x8192xf32>
    %convert_element_type3A_126 = arith.sitofp %arg2 : i32 to f32
    %mul3A_127 = arith.constant 6.400000e+01 : f32
    %mul3A_128 = arith.mulf %mul3A_127, %convert_element_type3A_126 : f32
    %add3A_129 = vector.broadcast %mul3A_128 : f32 to vector<1x8192xf32>
    %add3A_130 = arith.addf %floor3A_121, %add3A_129 : vector<1x8192xf32>
    %ge3A = vector.broadcast %sub3A_125 : vector<1x8192xf32> to vector<20x8192xf32>
    %ge3A_131 = vector.broadcast %sub3A_104 : vector<20x1xf32> to vector<20x8192xf32>
    %ge3A_132 = arith.cmpf oge, %ge3A, %ge3A_131 : vector<20x8192xf32>
    %lt3A = vector.broadcast %sub3A_125 : vector<1x8192xf32> to vector<20x8192xf32>
    %lt3A_133 = vector.broadcast %add3A : vector<20x1xf32> to vector<20x8192xf32>
    %lt3A_134 = arith.cmpf olt, %lt3A, %lt3A_133 : vector<20x8192xf32>
    %and3A_135 = arith.andi %ge3A_132, %lt3A_134 : vector<20x8192xi1>
    %ge3A_136 = vector.broadcast %add3A_130 : vector<1x8192xf32> to vector<20x8192xf32>
    %ge3A_137 = vector.broadcast %sub3A_111 : vector<20x1xf32> to vector<20x8192xf32>
    %ge3A_138 = arith.cmpf oge, %ge3A_136, %ge3A_137 : vector<20x8192xf32>
    %and3A_139 = arith.andi %and3A_135, %ge3A_138 : vector<20x8192xi1>
    %lt3A_140 = vector.broadcast %add3A_130 : vector<1x8192xf32> to vector<20x8192xf32>
    %lt3A_141 = vector.broadcast %add3A_115 : vector<20x1xf32> to vector<20x8192xf32>
    %lt3A_142 = arith.cmpf olt, %lt3A_140, %lt3A_141 : vector<20x8192xf32>
    %and3A_143 = arith.andi %and3A_139, %lt3A_142 : vector<20x8192xi1>
    %convert_element_type3A_144 = arith.extui %and3A_143 : vector<20x8192xi1> to vector<20x8192xi32>
    %convert_element_type3A_145 = arith.sitofp %convert_element_type3A_144 : vector<20x8192xi32> to vector<20x8192xf32>
    %get3A_146 = arith.constant 0 : index
    %get3A_147 = arith.constant 0 : index
    %get3A_148 = arith.constant 0 : index
    %get3A_149 = vector.load %arg7[%get3A_146, %get3A_147, %get3A_148] : memref<1x1x8192xf32, #tpu.memory_space<vmem>>, vector<1x1x8192xf32>
    %get3A_150 = vector.shape_cast %get3A_149 : vector<1x1x8192xf32> to vector<8192xf32>
    %iota3A_151 = tpu.iota {dimensions = array<i32: 0>} : vector<20x1xi32>
    %convert_element_type3A_152 = arith.sitofp %iota3A_151 : vector<20x1xi32> to vector<20x1xf32>
    %add3A_153 = arith.constant 1.000000e+00 : f32
    %add3A_154 = vector.broadcast %add3A_153 : f32 to vector<20x1xf32>
    %add3A_155 = arith.addf %convert_element_type3A_152, %add3A_154 : vector<20x1xf32>
    %broadcast_in_dim3A_156 = vector.shape_cast %get3A_150 : vector<8192xf32> to vector<1x8192xf32>
    %eq3A_157 = vector.broadcast %broadcast_in_dim3A_156 : vector<1x8192xf32> to vector<20x8192xf32>
    %eq3A_158 = vector.broadcast %add3A_155 : vector<20x1xf32> to vector<20x8192xf32>
    %eq3A_159 = arith.cmpf oeq, %eq3A_157, %eq3A_158 : vector<20x8192xf32>
    %jit3A = arith.constant 0.000000e+00 : f32
    %broadcast_in_dim3A_160 = vector.broadcast %jit3A : f32 to vector<20x8192xf32>
    %select_n3A = arith.select %eq3A_159, %convert_element_type3A_145, %broadcast_in_dim3A_160 : vector<20x8192xi1>, vector<20x8192xf32>
    %slice3A = vector.extract_strided_slice %get3A_19 {offsets = [0, 28], sizes = [320, 32], strides = [1, 1]} : vector<320x60xf32> to vector<320x32xf32>
    %get3A_161 = arith.constant 0 : index
    %get3A_162 = arith.constant 0 : index
    %get3A_163 = arith.constant 0 : index
    %get3A_164 = vector.load %arg6[%get3A_161, %get3A_162, %get3A_163] : memref<1x32x8192xf32, #tpu.memory_space<vmem>>, vector<1x32x8192xf32>
    %get3A_165 = vector.shape_cast %get3A_164 : vector<1x32x8192xf32> to vector<32x8192xf32>
    %dot_general3A = arith.constant dense<0.000000e+00> : vector<32x20xf32>
    %dot_general3A_166 = tpu.matmul %get3A_165, %select_n3A, %dot_general3A {dimension_numbers = #tpu.dot_dimension_numbers<[1], [1], [0], [0], [0, 0, 1, 0], [], []>, transpose_lhs_hint = false} : vector<32x8192xf32>, vector<20x8192xf32>, vector<32x20xf32> -> vector<32x20xf32>
    %dot_general3A_167 = arith.constant dense<0.000000e+00> : vector<320x20xf32>
    %dot_general3A_168 = tpu.matmul %slice3A, %dot_general3A_166, %dot_general3A_167 {dimension_numbers = #tpu.dot_dimension_numbers<[1], [0], [0], [1], [0, 0, 1, 1], [], []>, transpose_lhs_hint = false} : vector<320x32xf32>, vector<32x20xf32>, vector<320x20xf32> -> vector<320x20xf32>
    %convert_element_type3A_169 = arith.truncf %slice3A : vector<320x32xf32> to vector<320x32xbf16>
    %convert_element_type3A_170 = arith.truncf %get3A_165 : vector<32x8192xf32> to vector<32x8192xbf16>
    %dot_general3A_171 = arith.constant dense<0.000000e+00> : vector<320x8192xf32>
    %dot_general3A_172 = tpu.matmul %convert_element_type3A_169, %convert_element_type3A_170, %dot_general3A_171 {dimension_numbers = #tpu.dot_dimension_numbers<[1], [0], [0], [1], [0, 0, 1, 1], [], []>, transpose_lhs_hint = false} : vector<320x32xbf16>, vector<32x8192xbf16>, vector<320x8192xf32> -> vector<320x8192xf32>
    %convert_element_type3A_173 = arith.truncf %dot_general3A_172 : vector<320x8192xf32> to vector<320x8192xbf16>
    %exp3A = math.exp %convert_element_type3A_173 : vector<320x8192xbf16>
    %log1p3A = math.log1p %exp3A : vector<320x8192xbf16>
    %convert_element_type3A_174 = arith.truncf %convert_element_type3A_145 : vector<20x8192xf32> to vector<20x8192xbf16>
    %dot_general3A_175 = arith.constant dense<0.000000e+00> : vector<320x20xf32>
    %dot_general3A_176 = tpu.matmul %log1p3A, %convert_element_type3A_174, %dot_general3A_175 {dimension_numbers = #tpu.dot_dimension_numbers<[1], [1], [0], [0], [0, 0, 1, 0], [], []>, transpose_lhs_hint = false} : vector<320x8192xbf16>, vector<20x8192xbf16>, vector<320x20xf32> -> vector<320x20xf32>
    %sub3A_177 = arith.subf %dot_general3A_176, %dot_general3A_168 : vector<320x20xf32>
    %mul3A_178 = arith.mulf %sub3A_177, %convert_element_type3A_32 : vector<320x20xf32>
    %reduce_sum3A_179 = arith.constant dense<0.000000e+00> : vector<320xf32>
    %reduce_sum3A_180 = vector.multi_reduction <add>, %mul3A_178, %reduce_sum3A_179 [1] : vector<320x20xf32> to vector<320xf32>
    %broadcast_in_dim3A_181 = vector.shape_cast %reduce_sum3A_180 : vector<320xf32> to vector<320x1xf32>
    %get3A_182 = arith.constant 11 : index
    %get3A_183 = memref.load %arg11[%get3A_182] : memref<12xf32, #tpu.memory_space<smem>>
    %get3A_184 = arith.constant 0 : index
    %get3A_185 = arith.constant 1 : index
    %get3A_186 = vector.load %arg12[%get3A_184, %get3A_185] : memref<320x2xf32, #tpu.memory_space<vmem>>, vector<320x1xf32>
    %mul3A_187 = arith.mulf %broadcast_in_dim3A_181, %get3A_186 : vector<320x1xf32>
    %reduce_sum3A_188 = vector.shape_cast %mul3A_187 : vector<320x1xf32> to vector<1x320x1xf32>
    %reduce_sum3A_189 = arith.constant dense<0.000000e+00> : vector<1xf32>
    %reduce_sum3A_190 = vector.multi_reduction <add>, %reduce_sum3A_188, %reduce_sum3A_189 [1, 2] : vector<1x320x1xf32> to vector<1xf32>
    %reduce_sum3A_191 = vector.shape_cast %reduce_sum3A_190 : vector<1xf32> to vector<1x1x1xf32>
    %reduce_sum3A_192 = vector.extract %reduce_sum3A_191[0, 0, 0] : f32 from vector<1x1x1xf32>
    %add3A_193 = arith.addf %get3A_183, %reduce_sum3A_192 : f32
    %swap3A = arith.constant 11 : index
    %swap3A_194 = memref.load %arg11[%swap3A] : memref<12xf32, #tpu.memory_space<smem>>
    memref.store %add3A_193, %arg11[%swap3A] : memref<12xf32, #tpu.memory_space<smem>>
    %eq3A_195 = arith.constant 1 : i32
    %eq3A_196 = arith.cmpi eq, %arg2, %eq3A_195 : i32
    %convert_element_type3A_197 = arith.extui %eq3A_196 : i1 to i32
    %cond3A_198 = arith.constant 0 : i32
    %cond3A_199 = arith.cmpi ne, %convert_element_type3A_197, %cond3A_198 : i32
    scf.if %cond3A_199 {
      %get3A_203 = arith.constant 0 : index
      %get3A_204 = arith.constant 0 : index
      %get3A_205 = vector.load %arg12[%get3A_203, %get3A_204] : memref<320x2xf32, #tpu.memory_space<vmem>>, vector<320x1xf32>
      %reduce_sum3A_206 = vector.shape_cast %get3A_205 : vector<320x1xf32> to vector<1x320x1xf32>
      %reduce_sum3A_207 = arith.constant dense<0.000000e+00> : vector<1xf32>
      %reduce_sum3A_208 = vector.multi_reduction <add>, %reduce_sum3A_206, %reduce_sum3A_207 [1, 2] : vector<1x320x1xf32> to vector<1xf32>
      %reduce_sum3A_209 = vector.shape_cast %reduce_sum3A_208 : vector<1xf32> to vector<1x1x1xf32>
      %reduce_sum3A_210 = vector.extract %reduce_sum3A_209[0, 0, 0] : f32 from vector<1x1x1xf32>
      %get3A_211 = arith.constant 10 : index
      %get3A_212 = memref.load %arg11[%get3A_211] : memref<12xf32, #tpu.memory_space<smem>>
      %gt3A = arith.constant 0.000000e+00 : f32
      %gt3A_213 = arith.cmpf ogt, %reduce_sum3A_210, %gt3A : f32
      %get3A_214 = arith.constant 11 : index
      %get3A_215 = memref.load %arg11[%get3A_214] : memref<12xf32, #tpu.memory_space<smem>>
      %max3A = arith.constant 1.000000e+00 : f32
      %max3A_216 = arith.maximumf %reduce_sum3A_210, %max3A : f32
      %div3A = arith.divf %get3A_215, %max3A_216 : f32
      %jit3A_217 = arith.constant 0.000000e+00 : f32
      %select_n3A_218 = arith.select %gt3A_213, %div3A, %jit3A_217 : f32
      %add3A_219 = arith.addf %get3A_212, %select_n3A_218 : f32
      %swap3A_220 = arith.constant 10 : index
      %swap3A_221 = memref.load %arg11[%swap3A_220] : memref<12xf32, #tpu.memory_space<smem>>
      memref.store %add3A_219, %arg11[%swap3A_220] : memref<12xf32, #tpu.memory_space<smem>>
    } else {
    }
    %convert_element_type3A_200 = arith.extui %and3A_13 : i1 to i32
    %cond3A_201 = arith.constant 0 : i32
    %cond3A_202 = arith.cmpi ne, %convert_element_type3A_200, %cond3A_201 : i32
    scf.if %cond3A_202 {
      %get3A_203 = arith.constant 0 : index
      %get3A_204 = memref.load %arg11[%get3A_203] : memref<12xf32, #tpu.memory_space<smem>>
      %max3A = arith.constant 1.000000e+00 : f32
      %max3A_205 = arith.maximumf %get3A_204, %max3A : f32
      %gt3A = arith.constant 0.000000e+00 : f32
      %gt3A_206 = arith.cmpf ogt, %get3A_204, %gt3A : f32
      %get3A_207 = arith.constant 2 : index
      %get3A_208 = memref.load %arg11[%get3A_207] : memref<12xf32, #tpu.memory_space<smem>>
      %div3A = arith.divf %get3A_208, %max3A_205 : f32
      %jit3A_209 = arith.constant 0.000000e+00 : f32
      %select_n3A_210 = arith.select %gt3A_206, %div3A, %jit3A_209 : f32
      %add3A_211 = arith.constant 0.000000e+00 : f32
      %add3A_212 = arith.addf %add3A_211, %select_n3A_210 : f32
      %gt3A_213 = arith.constant 0.000000e+00 : f32
      %gt3A_214 = arith.cmpf ogt, %get3A_204, %gt3A_213 : f32
      %get3A_215 = arith.constant 4 : index
      %get3A_216 = memref.load %arg11[%get3A_215] : memref<12xf32, #tpu.memory_space<smem>>
      %mul3A_217 = arith.constant 2.300000e+01 : f32
      %mul3A_218 = arith.mulf %max3A_205, %mul3A_217 : f32
      %div3A_219 = arith.divf %get3A_216, %mul3A_218 : f32
      %jit3A_220 = arith.constant 0.000000e+00 : f32
      %select_n3A_221 = arith.select %gt3A_214, %div3A_219, %jit3A_220 : f32
      %add3A_222 = arith.constant 0.000000e+00 : f32
      %add3A_223 = arith.addf %add3A_222, %select_n3A_221 : f32
      %get3A_224 = arith.constant 6 : index
      %get3A_225 = memref.load %arg11[%get3A_224] : memref<12xf32, #tpu.memory_space<smem>>
      %get3A_226 = arith.constant 8 : index
      %get3A_227 = memref.load %arg11[%get3A_226] : memref<12xf32, #tpu.memory_space<smem>>
      %sub3A_228 = arith.subf %get3A_225, %get3A_227 : f32
      %div3A_229 = arith.constant 9.830400e+04 : f32
      %div3A_230 = arith.divf %sub3A_228, %div3A_229 : f32
      %mul3A_231 = arith.constant 4.000000e+00 : f32
      %mul3A_232 = arith.mulf %div3A_230, %mul3A_231 : f32
      %add3A_233 = arith.constant 0.000000e+00 : f32
      %add3A_234 = arith.addf %add3A_233, %mul3A_232 : f32
      %get3A_235 = arith.constant 1 : index
      %get3A_236 = memref.load %arg11[%get3A_235] : memref<12xf32, #tpu.memory_space<smem>>
      %max3A_237 = arith.constant 1.000000e+00 : f32
      %max3A_238 = arith.maximumf %get3A_236, %max3A_237 : f32
      %gt3A_239 = arith.constant 0.000000e+00 : f32
      %gt3A_240 = arith.cmpf ogt, %get3A_236, %gt3A_239 : f32
      %get3A_241 = arith.constant 3 : index
      %get3A_242 = memref.load %arg11[%get3A_241] : memref<12xf32, #tpu.memory_space<smem>>
      %div3A_243 = arith.divf %get3A_242, %max3A_238 : f32
      %jit3A_244 = arith.constant 0.000000e+00 : f32
      %select_n3A_245 = arith.select %gt3A_240, %div3A_243, %jit3A_244 : f32
      %add3A_246 = arith.addf %add3A_212, %select_n3A_245 : f32
      %gt3A_247 = arith.constant 0.000000e+00 : f32
      %gt3A_248 = arith.cmpf ogt, %get3A_236, %gt3A_247 : f32
      %get3A_249 = arith.constant 5 : index
      %get3A_250 = memref.load %arg11[%get3A_249] : memref<12xf32, #tpu.memory_space<smem>>
      %mul3A_251 = arith.constant 2.300000e+01 : f32
      %mul3A_252 = arith.mulf %max3A_238, %mul3A_251 : f32
      %div3A_253 = arith.divf %get3A_250, %mul3A_252 : f32
      %jit3A_254 = arith.constant 0.000000e+00 : f32
      %select_n3A_255 = arith.select %gt3A_248, %div3A_253, %jit3A_254 : f32
      %add3A_256 = arith.addf %add3A_223, %select_n3A_255 : f32
      %get3A_257 = arith.constant 7 : index
      %get3A_258 = memref.load %arg11[%get3A_257] : memref<12xf32, #tpu.memory_space<smem>>
      %get3A_259 = arith.constant 9 : index
      %get3A_260 = memref.load %arg11[%get3A_259] : memref<12xf32, #tpu.memory_space<smem>>
      %sub3A_261 = arith.subf %get3A_258, %get3A_260 : f32
      %div3A_262 = arith.constant 9.830400e+04 : f32
      %div3A_263 = arith.divf %sub3A_261, %div3A_262 : f32
      %mul3A_264 = arith.constant 4.000000e+00 : f32
      %mul3A_265 = arith.mulf %div3A_263, %mul3A_264 : f32
      %add3A_266 = arith.addf %add3A_234, %mul3A_265 : f32
      %get3A_267 = arith.constant 10 : index
      %get3A_268 = memref.load %arg11[%get3A_267] : memref<12xf32, #tpu.memory_space<smem>>
      %div3A_269 = arith.constant 8.000000e+00 : f32
      %div3A_270 = arith.divf %get3A_268, %div3A_269 : f32
      %add3A_271 = arith.addf %add3A_246, %add3A_266 : f32
      %add3A_272 = arith.addf %add3A_271, %add3A_256 : f32
      %add3A_273 = arith.addf %add3A_272, %div3A_270 : f32
      %mul3A_274 = arith.constant 8.000000e+00 : f32
      %mul3A_275 = arith.mulf %add3A_273, %mul3A_274 : f32
      %swap3A_276 = arith.constant 0 : index
      %swap3A_277 = memref.load %arg9[%swap3A_276] : memref<1xf32, #tpu.memory_space<smem>>
      memref.store %mul3A_275, %arg9[%swap3A_276] : memref<1xf32, #tpu.memory_space<smem>>
      %swap3A_278 = arith.constant 0 : index
      %swap3A_279 = memref.load %arg10[%swap3A_278] : memref<4xf32, #tpu.memory_space<smem>>
      memref.store %add3A_246, %arg10[%swap3A_278] : memref<4xf32, #tpu.memory_space<smem>>
      %swap3A_280 = arith.constant 1 : index
      %swap3A_281 = memref.load %arg10[%swap3A_280] : memref<4xf32, #tpu.memory_space<smem>>
      memref.store %div3A_270, %arg10[%swap3A_280] : memref<4xf32, #tpu.memory_space<smem>>
      %swap3A_282 = arith.constant 2 : index
      %swap3A_283 = memref.load %arg10[%swap3A_282] : memref<4xf32, #tpu.memory_space<smem>>
      memref.store %add3A_266, %arg10[%swap3A_282] : memref<4xf32, #tpu.memory_space<smem>>
      %swap3A_284 = arith.constant 3 : index
      %swap3A_285 = memref.load %arg10[%swap3A_284] : memref<4xf32, #tpu.memory_space<smem>>
      memref.store %add3A_256, %arg10[%swap3A_284] : memref<4xf32, #tpu.memory_space<smem>>
    } else {
    }
    return
  }
  func.func @transform_0(%arg0: i32, %arg1: i32, %arg2: i32) -> (i32, i32, i32) {
    %c0_i32 = arith.constant 0 : i32
    %c0_i32_0 = arith.constant 0 : i32
    %c0_i32_1 = arith.constant 0 : i32
    return %arg0, %c0_i32, %c0_i32_0 : i32, i32, i32
  }
  func.func @transform_1(%arg0: i32, %arg1: i32, %arg2: i32) -> (i32, i32, i32) {
    %c0_i32 = arith.constant 0 : i32
    %c0_i32_0 = arith.constant 0 : i32
    %c0_i32_1 = arith.constant 0 : i32
    return %arg0, %c0_i32, %c0_i32_0 : i32, i32, i32
  }
  func.func @transform_2(%arg0: i32, %arg1: i32, %arg2: i32) -> (i32, i32, i32, i32) {
    %c0_i32 = arith.constant 0 : i32
    %c0_i32_0 = arith.constant 0 : i32
    %c0_i32_1 = arith.constant 0 : i32
    return %arg1, %arg0, %c0_i32, %c0_i32_0 : i32, i32, i32, i32
  }
  func.func @transform_3(%arg0: i32, %arg1: i32, %arg2: i32) -> (i32, i32, i32) {
    %c0_i32 = arith.constant 0 : i32
    %c0_i32_0 = arith.constant 0 : i32
    return %arg0, %c0_i32, %arg2 : i32, i32, i32
  }
  func.func @transform_4(%arg0: i32, %arg1: i32, %arg2: i32) -> (i32, i32, i32) {
    %c0_i32 = arith.constant 0 : i32
    %c0_i32_0 = arith.constant 0 : i32
    return %arg0, %c0_i32, %arg2 : i32, i32, i32
  }
  func.func @transform_5(%arg0: i32, %arg1: i32, %arg2: i32) -> (i32, i32, i32, i32) {
    %c0_i32 = arith.constant 0 : i32
    %c0_i32_0 = arith.constant 0 : i32
    %c0_i32_1 = arith.constant 0 : i32
    return %arg1, %arg0, %c0_i32, %c0_i32_0 : i32, i32, i32, i32
  }
  func.func @transform_6(%arg0: i32, %arg1: i32, %arg2: i32) -> i32 {
    %c0_i32 = arith.constant 0 : i32
    %c0_i32_0 = arith.constant 0 : i32
    return %c0_i32 : i32
  }
  func.func @transform_7(%arg0: i32, %arg1: i32, %arg2: i32) -> i32 {
    %c0_i32 = arith.constant 0 : i32
    %c0_i32_0 = arith.constant 0 : i32
    return %c0_i32 : i32
  }
}

</mosaic_0001>

<sc_bundles>
// kernel: kernel.4.cloned.1.call-start
scs
__scs_entry_jumppad:
0x0: {  	(pc) =	sbr.rel $0x88, $3  }
0x1: {  	(tag) =	ssettag $0x0;
	lr =	simm.s32 $0x1  }
0x2: {  	[smem:$0x3F9D] =	sst lr;
	_ =	strace $0xD0000000  }
0x3: {  	_ = 	snop  }
0x4: {  	_ = 	snop  }
0x5: {  	_ = 	snop  }
0x6: {  	_ = 	snop  }
0x7: {  	_ = 	snop  }
__scs_overlays_trampoline_lowered:
0x8: {  	[smem:$0x3FAC] =	sst s0  }
0x9: {  	[smem:$0x3FAD] =	sst s1  }
0xa: {  	[smem:$0x3FAE] =	sst s2  }
0xb: {  	[smem:$0x3FAF] =	sst s3  }
0xc: {  	[smem:$0x3FB0] =	sst s4  }
0xd: {  	[smem:$0x3FB1] =	sst s5  }
0xe: {  	[smem:$0x3FB2] =	sst s6  }
0xf: {  	[smem:$0x3FB3] =	sst s7  }
0x10: {  	[smem:$0x3FB4] =	sst s8  }
0x11: {  	[smem:$0x3FB5] =	sst s9;
	s0 =	simm.s32 @!p0 $0x0  }
0x12: {  	s1 =	sld [smem:$0x3F9B];
	s0 =	simm.s32 @p0 $0x1  }
0x13: {  	[smem:$0x3FB6] =	sst s0;
	s0 =	simm.s32 @!p1 $0x0  }
0x14: {  	s2 =	sld [smem:$0x3F9A];
	s0 =	simm.s32 @p1 $0x1  }
0x15: {  	[smem:$0x3FB7] =	sst s0;
	s0 =	simm.s32 @!p2 $0x0  }
0x16: {  	s3 =	sld [smem:$0x3FDB];
	s0 =	simm.s32 @p2 $0x1  }
0x17: {  	s4 =	simm.s32 $0x1BF5;
	[smem:$0x3FB9] =	sst s0  }
0x18: {  	s0 =	sld [smem:$0x3F9C];
	_ =	swait.ge [sflag:s4], $0x0  }
0x19: {  	s7 =	sld [smem:$0x3F9D]  }
0x1a: {  	s8 =	sadd.s32 $0xFFFFE003, lr  }
0x1b: {  	s9 =	sadd.s32 $0xFFFFFEF7, lr;
	s5 =	simm.s32 $0xFFFFFFFF;
	p2 =	slt.u32 s8, $0xFFFFF086  }
0x1c: {  	p1 =	slt.u32 s9, $0xF7A;
	s5 =	simm.s32 @!p2 $0x0  }
0x1d: {  	s5 =	simm.s32 @p1 $0x1;
	p0 =	seq.s32 s7, s2  }
0x1e: {  	s7 =	smul.u32 @!p0 $0xF7A, s2;
	p2 =	seq.s32 @!p0 s5, $0x0  }
0x1f: {  	s9 =	smul.u32 $0xF7A, s1;
	s8 =	simm.s32 @!p0 $0x1BF5;
	p2 =	por !p2, p0  }
0x20: {  	[sflag:s8] =	ssyncset.s32 @!p0 $0xFFFFF086;
	s6 =	sadd.s32 @!p0 s3, s7;
	s7 =	simm.s32 @!p0 $0x108  }
0x21: {  	s3 =	sadd.s32 s3, s9;
	s6 =	sadd.s32 @!p0 $0x88, s6;
	s7 =	simm.s32 @p2 $0x1082  }
0x22: {  	[simem:s7], [sflag:s8] =	dma.local @!p0 [hbm:s6], $0xF7A  }
0x23: {  	s9 =	sor.u32 $0xD0000000, s2;
	s6 =	simm.s32 $0x108;
	_ =	swait.ge @!p0 [sflag:s8], $0x0  }
0x24: {  	s3 =	sadd.s32 $0x88, s3;
	s6 =	simm.s32 @!p1 $0x1082;
	[sflag:s4] =	ssyncset.s32 $0xFFFFF086  }
0x25: {  	[simem:s6], [sflag:s4] =	dma.local [hbm:s3], $0xF7A  }
0x26: {  	[smem:$0x3F9D] =	sst s1;
	(tag) =	ssettag s2;
	_ =	strace s9  }
0x27: {  	s1 =	sld [smem:$0x3FAD]  }
0x28: {  	s2 =	sld [smem:$0x3FAE]  }
0x29: {  	s4 =	sld [smem:$0x3FB0]  }
0x2a: {  	p0 =	seq.s32 s5, $0x0;
	s5 =	sld [smem:$0x3FB1]  }
0x2b: {  	s6 =	sld [smem:$0x3FB2]  }
0x2c: {  	s7 =	sld [smem:$0x3FB3]  }
0x2d: {  	s3 =	simm.s32 $0x108;
	s8 =	sld [smem:$0x3FB4]  }
0x2e: {  	s3 =	simm.s32 @!p0 $0x1082;
	s9 =	sld [smem:$0x3FB5]  }
0x2f: {  	lr =	sadd.s32 s0, s3;
	s0 =	sld [smem:$0x3FAC]  }
0x30: {  	s3 =	sld [smem:$0x3FAF]  }
0x31: {  	[smem:$0x3FB8] =	sst s10  }
0x32: {  	s10 =	sld [smem:$0x3FB6];
	_ =	sdelay $0x3  }
0x33: {  	p0 =	seq.s32 s10, $0x1;
	s10 =	sld [smem:$0x3FB8];
	_ =	sdelay $0x3  }
0x34: {  	[smem:$0x3FB8] =	sst s10  }
0x35: {  	s10 =	sld [smem:$0x3FB7];
	_ =	sdelay $0x3  }
0x36: {  	p1 =	seq.s32 s10, $0x1;
	s10 =	sld [smem:$0x3FB8];
	_ =	sdelay $0x3  }
0x37: {  	[smem:$0x3FB8] =	sst s10  }
0x38: {  	s10 =	sld [smem:$0x3FB9]  }
0x39: {  	_ = 	snop;
	(pc) =	sbr.ind lr, $3  }
0x3a: {  	_ = 	snop  }
0x3b: {  	_ = 	snop  }
0x3c: {  	p2 =	seq.s32 s10, $0x1;
	s10 =	sld [smem:$0x3FB8]  }
0x3d: {  	_ =	shalt  }
0x3e: {  	_ =	shalt  }
0x3f: {  	_ =	shalt  }
0x40: {  	_ =	shalt  }
0x41: {  	_ =	shalt  }
0x42: {  	_ =	shalt  }
0x43: {  	_ =	shalt  }
0x44: {  	_ =	shalt  }
0x45: {  	_ =	shalt  }
0x46: {  	_ =	shalt  }
0x47: {  	_ =	shalt  }
0x48: {  	_ =	shalt  }
0x49: {  	_ =	shalt  }
0x4a: {  	_ =	shalt  }
0x4b: {  	_ =	shalt  }
0x4c: {  	_ =	shalt  }
0x4d: {  	_ =	shalt  }
0x4e: {  	_ =	shalt  }
0x4f: {  	_ =	shalt  }
0x50: {  	_ =	shalt  }
0x51: {  	_ =	shalt  }
0x52: {  	_ =	shalt  }
0x53: {  	_ =	shalt  }
0x54: {  	_ =	shalt  }
0x55: {  	_ =	shalt  }
0x56: {  	_ =	shalt  }
0x57: {  	_ =	shalt  }
0x58: {  	_ =	shalt  }
0x59: {  	_ =	shalt  }
0x5a: {  	_ =	shalt  }
0x5b: {  	_ =	shalt  }
0x5c: {  	_ =	shalt  }
0x5d: {  	_ =	shalt  }
0x5e: {  	_ =	shalt  }
0x5f: {  	_ =	shalt  }
0x60: {  	_ =	shalt  }
0x61: {  	_ =	shalt  }
0x62: {  	_ =	shalt  }
0x63: {  	_ =	shalt  }
0x64: {  	_ =	shalt  }
0x65: {  	_ =	shalt  }
0x66: {  	_ =	shalt  }
0x67: {  	_ =	shalt  }
0x68: {  	_ =	shalt  }
0x69: {  	_ =	shalt  }
0x6a: {  	_ =	shalt  }
0x6b: {  	_ =	shalt  }
0x6c: {  	_ =	shalt  }
0x6d: {  	_ =	shalt  }
0x6e: {  	_ =	shalt  }
0x6f: {  	_ =	shalt  }
0x70: {  	_ =	shalt  }
0x71: {  	_ =	shalt  }
0x72: {  	_ =	shalt  }
0x73: {  	_ =	shalt  }
0x74: {  	_ =	shalt  }
0x75: {  	_ =	shalt  }
0x76: {  	_ =	shalt  }
0x77: {  	_ =	shalt  }
0x78: {  	_ =	shalt  }
0x79: {  	_ =	shalt  }
0x7a: {  	_ =	shalt  }
0x7b: {  	_ =	shalt  }
0x7c: {  	_ =	shalt  }
0x7d: {  	_ =	shalt  }
0x7e: {  	_ =	shalt  }
0x7f: {  	_ =	shalt  }
0x80: {  	_ =	shalt  }
0x81: {  	_ =	shalt  }
0x82: {  	_ =	shalt  }
0x83: {  	_ =	shalt  }
0x84: {  	_ =	shalt  }
0x85: {  	_ =	shalt  }
0x86: {  	_ =	shalt  }
0x87: {  	_ =	shalt  }
.Lfunc_end0:
.L_simem_size_0:
called_computation_lowered:
.L_overlay_start_0:
0x88: {  	s2 =	sld [smem:$0x3FD9]  }
0x89: {  	s3 =	sld [smem:$0x3FFE];
	_ =	sdelay $0x1  }
0x8a: {  	s1 =	srdreg.scid  }
0x8b: {  	s0 =	sand.u32 $0x1, s1  }
0x8c: {  	s16 =	sshll.u32 s0, $0xA;
	s2 =	sadd.s32 s3, s2  }
0x8d: {  	s2 =	sadd.s32 s2, s16  }
0x8e: {  	[smem:$0x3FC4] =	sst s2  }
0x8f: {  	_ = 	snop  }
0x90: {  	(tm) =	ssettm $0x1  }
0x91: {  	s17 =	sld [smem:$0x3FFB];
	_ =	sdelay $0x3  }
0x92: {  	_ =	strace s17  }
0x93: {  	s2 =	sld [smem:$0x3FFC];
	_ =	sdelay $0x3  }
0x94: {  	_ =	strace s2  }
0x95: {  	s2 =	sld [smem:$0x3FFD];
	_ =	sdelay $0x3  }
0x96: {  	_ =	strace s2  }
0x97: {  	_ =	strace $0x8FFFFFFF  }
0x98: {  	s18 =	sld [smem:$0x3FDB];
	_ =	sdelay $0x1  }
0x99: {  	s19 =	simm.s32 $_scs_section_size  }
0x9a: {  	s4 =	simm.s32 $_size__tile_overlayer_lowered;
	s5 =	simm.s32 $_tile_overlayer_lowered  }
0x9b: {  	s22 =	simm.s32 $0x1BFF;
	s21 =	sshll.u32 s5, $0x1;
	s2 =	sadd.s32 s19, s18  }
0x9c: {  	s6 =	simm.s32 $0x0;
	s20 =	sshll.u32 s4, $0x1;
	s4 =	sadd.s32 s21, s2  }
0x9d: {  	[timem:s6], [sflag:s22] =	dma.local [hbm:s4], s20  }
0x9e: {  	_ =	swait.ge [sflag:s22], s20  }
0x9f: {  	s3 =	ssub.s32 $0x0, s20;
	[sflag:s22] =	ssyncset.done $0x0  }
0xa0: {  	[sflag:s22] =	ssyncadd.s32 s3;
	_ =	sdelay $0x1  }
0xa1: {  	s23 =	simm.s32 $0x1B8B  }
0xa2: {  	_ =	swait.ge [sflag:s23], $0x1  }
0xa3: {  	[sflag:s23] =	ssyncset.done $0x0  }
0xa4: {  	s25 =	simm.s32 $0x1B8E;
	s24 =	sld [smem:$0x3FFE];
	[sflag:s23] =	ssyncadd.s32 $0xFFFFFFFF  }
0xa5: {  	s26 =	simm.s32 $execute0_lowered;
	[smem:$0x3FD2] =	sst s25  }
0xa6: {  	s4 =	sshll.u32 s26, $0x1;
	_ =	strace $0x80000046;
	[dreg:$0x1] =	wrdreg $0xFFFFFFFF  }
0xa7: {  	s28 =	simm.s32 $_size_execute0_lowered;
	s2 =	sadd.s32 s2, s4;
	[dreg:$0x0] =	wrdreg $0x0  }
0xa8: {  	s4 =	sshll.u32 s28, $0x1;
	[dreg:$0x2] =	wrdreg s2  }
0xa9: {  	[dreg:$0x3] =	wrdreg s4  }
0xaa: {  	[dreg:$0x4] =	wrdreg $0xC0  }
0xab: {  	_ =	task [dreg:s6], $0x5FFFF  }
0xac: {  	[dreg:$0x1] =	wrdreg $0xFFFFFFFF  }
0xad: {  	[dreg:$0x0] =	wrdreg $0x60  }
0xae: {  	[dreg:$0x2] =	wrdreg s24  }
0xaf: {  	[dreg:$0x3] =	wrdreg $0x9  }
0xb0: {  	_ =	task.clear_ibuf [dreg:s6], $0x4FFFF;
	_ =	strace $0x90000046  }
0xb1: {  	s29 =	simm.s32 $0x9;
	_ =	strace $0x80000048  }
0xb2: {  	_ =	swait.ge [sflag:s29], $0x1  }
0xb3: {  	[sflag:s29] =	ssyncadd.s32 $0xFFFFFFFF  }
0xb4: {  	_ =	strace $0x90000048  }
0xb5: {  	_ =	sfence  }
0xb6: {  	s30 =	sld [smem:$0x0];
	_ =	sdelay $0x2  }
0xb7: {  	s31 =	sshll.u32 s1, $0xD;
	s1 =	sshrl.u32 s1, $0x2  }
0xb8: {  	s3 =	sand.u32 $0x4000, s31;
	s1 =	sadd.s32 s1, s30  }
0xb9: {  	s0 =	sor.u32 s3, s0;
	s1 =	sshll.u32 s1, $0x11  }
0xba: {  	s0 =	sor.u32 s1, s0  }
0xbb: {  	s0 =	sadd.s32 $0x8F2B, s0  }
0xbc: {  	[sflag:s0] =	ssyncadd.remote.s32 $0x1  }
0xbd: {  	_ =	sfence.sel $0xFFFF  }
0xbe: {  	[dreg:$0x0] =	wrdreg $0xFFFFFFFF;
	(pc) =	sbr.abs _section_cstart, $3  }
0xbf: {  	[dreg:$0x1] =	wrdreg $0xFFFFFFFF  }
0xc0: {  	_ =	task.clear_ibuf [dreg:s6], $0x2FFFF;
	_ =	strace $0x9FFFFFFF  }
0xc1: {  	(tm) =	ssettm $0x7FFFFFFF  }
tec
execute0_lowered:
.L_overlay_start_1:
0x0: {  	(tag) =	ssettag $0x1  }
0x1: {  	s1 =	srdreg.scid  }
0x2: {  	s0 =	stileid.u32;
	s4 =	rddreg [dreg:$0x0]  }
0x3: {  	s2 =	simm.s32 $0x0;
	s7 =	simm.s32 $0x2;
	s8 =	simm.s32 $0x80  }
0x4: {  	s9 =	simm.s32 $0x1;
	s3 =	sand.u32 $0x1, s1;
	s5 =	sshll.u32 s0, $0x1  }
0x5: {  	s10 =	simm.s32 $0x3D80;
	s11 =	simm.s32 $0x0;
	s5 =	sor.u32 s3, s5  }
0x6: {  	[smem:$0x7FF] =	sst s2;
	s6 =	ssub.s32 $0x2, s3;
	s5 =	smul.u32 $0x7B0, s5  }
0x7: {  	s1 =	rddreg [dreg:$0x1];
	_ =	strace $0x80000047;
	s31 =	sshrl.u32 s6, $0x1  }
0x8: {  	s3 =	sadd.s32 $0x300A00, s4;
	s6 =	ssub.s32 s6, s31;
	s5 =	sadd.s32 s5, s4  }
0x9: {  	s6 =	smax.u32 s6, $0x1;
	s4 =	sadd.s32 $0xA00, s5;
	s5 =	sadd.s32 $0x10000, s5  }
.LBB2_1:
0xa: {  	[tilespmem:s2], [sflag:$0x2] =	stream.linear.gather [hbm4b:s4+s2], $0x3D80, $0x38;
	[tilespmem:$0x7B00] =	vst v63  }
0xb: {  	_ =	swait.ge [sflag:s7], $0x3D80  }
0xc: {  	[sflag:s7] =	ssyncset.done $0x0  }
0xd: {  	s12 =	simm.s32 $0x0;
	[sflag:s7] =	ssyncadd.s32 $0xFFFFC280  }
.LBB2_2:
0xe: {  	p0 =	sne.s32 s12, $0xF400  }
.Ltmp0:
0xf: {  	_ = 	snop;
	(pc) =	sbr.rel @p0 .LBB2_2-.Ltmp0, $4  }
0x10: {  	_ = 	snop  }
0x11: {  	s13 =	sshra.s32 s12, $0x2  }
0x12: {  	s12 =	sadd.s32 $0x200, s12;
	s14 =	sadd.s32 $0x3D80, s13  }
0x13: {  	[tilespmem:s14], [sflag:$0x1] =	stream.indirect.gather [hbm4b:s3+s8], $0x1, s13, s8, $0xb8;
	[tilespmem:$0x7B00] =	vst v63  }
0x14: {  	_ =	swait.ge [sflag:s9], $0x80  }
0x15: {  	s12 =	simm.s32 $0x7A;
	[sflag:s9] =	ssyncset.done $0x0  }
.LBB2_4:
0x16: {  	p0 =	sne.s32 s12, $0x1;
	s12 =	sadd.s32 $0xFFFFFFFF, s12;
	[sflag:s9] =	ssyncadd.s32 $0xFFFFFF80  }
.Ltmp1:
0x17: {  	(pc) =	sbr.rel @p0 .LBB2_4-.Ltmp1, $3  }
0x18: {  	_ =	sdelay $0x1  }
0x19: {  	_ =	swait.ge [sflag:s9], $0x80  }
0x1a: {  	[sflag:s9] =	ssyncset.done $0x0  }
0x1b: {  	s11 =	sadd.s32 $0x1, s11  }
0x1c: {  	p0 =	sne.s32 s11, s6  }
.Ltmp2:
0x1d: {  	[sflag:s9] =	ssyncadd.s32 $0xFFFFFF80;
	(pc) =	sbr.rel @p0 .LBB2_1-.Ltmp2, $4  }
0x1e: {  	[hbm4b:s5+s2] =	stream.linear.scatter [tilespmem:s10], [sflag:$0x2], $0x3D80, $0x38;
	[tilespmem:$0x7B00] =	vst v63  }
0x1f: {  	_ =	swait.ge [sflag:s7], $0x3D80  }
0x20: {  	[sflag:s7] =	ssyncset.done $0x0  }
0x21: {  	[sflag:s7] =	ssyncadd.s32 $0xFFFFC280  }
0x22: {  	_ =	sfence.sel $0x180000  }
0x23: {  	[bflag:$0x0] =	sbarrier.arrive $0xFFFF  }
0x24: {  	p0 =	sne.s32 s0, $0x0;
	_ =	strace $0x90000047  }
0x25: {  	s0 =	sadd.s32 @!p0 $0x100000, s1;
	[bflag:$0x2] =	sbarrier.arrive $0xFFFF  }
0x26: {  	[sflag:s0] =	ssyncadd.tile.s32 @!p0 $0x1;
	_ =	shalt  }
.Lfunc_end2:
_tile_overlayer_lowered:
.L_overlay_start_2:
0x27: {  	(tag) =	ssettag $0x2  }
0x28: {  	s0 =	rddreg [dreg:$0x0];
	s2 =	stileid.u32  }
0x29: {  	s1 =	rddreg [dreg:$0x1];
	p0 =	sne.s32 s2, $0x0  }
0x2a: {  	s3 =	rddreg [dreg:$0x2];
	[bflag:$0x3] =	sbarrier.arrive $0xFFFF;
	s2 =	simm.s32 @!p0 $0x1C02  }
0x2b: {  	[timem:s3], [sflag:s2] =	dma.local @!p0 [hbm:s0], s1  }
0x2c: {  	s0 =	simm.s32 @!p0 $0x2  }
0x2d: {  	_ =	swait.ge @!p0 [sflag:s0], s1  }
0x2e: {  	s1 =	ssub.s32 @!p0 $0x0, s1;
	[sflag:s0] =	ssyncset.done @!p0 $0x0  }
0x2f: {  	[sflag:s0] =	ssyncadd.s32 @!p0 s1  }
0x30: {  	[bflag:$0x3] =	sbarrier.arrive $0xFFFF  }
0x31: {  	_ =	shalt  }

</sc_bundles>
